<compile_context>
chip_gen: v7x
topology: tpu7x:2x2x1
jax: 0.10.2.dev20260603
libtpu: 0.0.44.dev20260713+nightly
codegen_flags: <defaults>
</compile_context>

<pallas_src>
import functools

import jax
import jax.numpy as jnp
from jax import lax
from jax.experimental import pallas as pl
from jax.experimental.pallas import tpu as pltpu
from jax.experimental.pallas import tpu_sc as plsc

N = 10000
NPAD = 10240
E = 160000
H = 256
G = 64

NC = 2
NS = 16
K = 128
HH = H // 2

ROWS_PER_TILE = NPAD // NS

_mesh = plsc.VectorSubcoreMesh(core_axis_name="c", subcore_axis_name="s")


EPT_A = E // (NC * NS)
FULL_A = EPT_A // K
TAIL_A = EPT_A - FULL_A * K


@functools.partial(
    pl.kernel,
    out_type=jax.ShapeDtypeStruct((NC * NPAD,), jnp.float32),
    mesh=_mesh,
    scratch_types=[
        pltpu.VMEM((K,), jnp.int32),
        pltpu.VMEM((TAIL_A,), jnp.int32),
        pltpu.VMEM((K,), jnp.float32),
        pltpu.VMEM((ROWS_PER_TILE,), jnp.float32),
        pltpu.VMEM_SHARED((NPAD,), jnp.float32),
    ],
)
def _deg_kernel(cols_hbm, deg_out, colv, colv_t, onesv, zv, accum):
    c = lax.axis_index("c")
    s = lax.axis_index("s")
    wid = c * NS + s
    for j in range(K // 16):
        onesv[pl.ds(j * 16, 16)] = jnp.ones((16,), jnp.float32)
    for j in range(ROWS_PER_TILE // 16):
        zv[pl.ds(j * 16, 16)] = jnp.zeros((16,), jnp.float32)
    r0 = s * ROWS_PER_TILE
    pltpu.sync_copy(zv, accum.at[pl.ds(r0, ROWS_PER_TILE)])
    plsc.subcore_barrier()

    base0 = wid * EPT_A

    def body(i, carry):
        base = base0 + i * K
        pltpu.sync_copy(cols_hbm.at[pl.ds(base, K)], colv)
        pltpu.sync_copy(onesv, accum.at[colv], add=True)
        return carry

    lax.fori_loop(0, FULL_A, body, 0)
    pltpu.sync_copy(cols_hbm.at[pl.ds(base0 + FULL_A * K, TAIL_A)], colv_t)
    pltpu.sync_copy(onesv.at[pl.ds(0, TAIL_A)], accum.at[colv_t], add=True)

    plsc.subcore_barrier()
    pltpu.sync_copy(accum.at[pl.ds(r0, ROWS_PER_TILE)],
                    deg_out.at[pl.ds(c * NPAD + r0, ROWS_PER_TILE)])


EPT_C = E // NS
FULL_C = EPT_C // K
TAIL_C = EPT_C - FULL_C * K


@functools.partial(
    pl.kernel,
    out_type=jax.ShapeDtypeStruct((NPAD, H), jnp.float32),
    mesh=_mesh,
    scratch_types=[
        pltpu.VMEM((K,), jnp.int32),
        pltpu.VMEM((K,), jnp.int32),
        pltpu.VMEM((TAIL_C,), jnp.int32),
        pltpu.VMEM((TAIL_C,), jnp.int32),
        pltpu.VMEM((K, HH), jnp.float32),
        pltpu.VMEM_SHARED((NPAD, HH), jnp.float32),
        pltpu.SemaphoreType.DMA,
    ],
)
def _spmm_kernel(rows_hbm, cols_hbm, y_hbm, zeros_hbm, agg_out,
                 rowv, colv, rowv_t, colv_t, gbuf, accum, sem):
    c = lax.axis_index("c")
    s = lax.axis_index("s")
    r0 = s * ROWS_PER_TILE
    pltpu.sync_copy(zeros_hbm.at[pl.ds(0, ROWS_PER_TILE)],
                    accum.at[pl.ds(r0, ROWS_PER_TILE)])
    plsc.subcore_barrier()

    base0 = s * EPT_C
    y_half = y_hbm.at[c]

    def body(i, carry):
        base = base0 + i * K
        pltpu.sync_copy(rows_hbm.at[pl.ds(base, K)], rowv)
        pltpu.sync_copy(cols_hbm.at[pl.ds(base, K)], colv)
        pltpu.async_copy(y_half.at[rowv], gbuf, sem).wait()
        pltpu.sync_copy(gbuf, accum.at[colv], add=True)
        return carry

    lax.fori_loop(0, FULL_C, body, 0)
    base = base0 + FULL_C * K
    pltpu.sync_copy(rows_hbm.at[pl.ds(base, TAIL_C)], rowv_t)
    pltpu.sync_copy(cols_hbm.at[pl.ds(base, TAIL_C)], colv_t)
    pltpu.async_copy(y_half.at[rowv_t], gbuf.at[pl.ds(0, TAIL_C)],
                     sem).wait()
    pltpu.sync_copy(gbuf.at[pl.ds(0, TAIL_C)], accum.at[colv_t], add=True)

    plsc.subcore_barrier()
    pltpu.sync_copy(accum.at[pl.ds(r0, ROWS_PER_TILE)],
                    agg_out.at[pl.ds(r0, ROWS_PER_TILE), pl.ds(c * HH, HH)])


def _prep_body(deg_ref, dinv_ref):
    deg = deg_ref[pl.ds(0, NPAD)] + deg_ref[pl.ds(NPAD, NPAD)] + 1.0
    dinv_ref[...] = lax.rsqrt(jnp.maximum(deg, 1e-12))


_prep_call = pl.pallas_call(
    _prep_body,
    out_shape=jax.ShapeDtypeStruct((NPAD,), jnp.float32),
)

BLK = 1024
GRID = NPAD // BLK


def _pre1_body(x_ref, dinv_ref, wenc_ref, benc_ref, w1_ref, y_ref):
    h = jnp.dot(x_ref[...], wenc_ref[...], preferred_element_type=jnp.float32,
                precision=lax.Precision.HIGHEST) + benc_ref[...]
    xw = jnp.dot(h, w1_ref[...], preferred_element_type=jnp.float32,
                 precision=lax.Precision.HIGHEST)
    y = dinv_ref[...] * xw
    y_ref[0] = y[:, :HH]
    y_ref[1] = y[:, HH:]


_pre1_call = pl.pallas_call(
    _pre1_body,
    grid=(GRID,),
    in_specs=[
        pl.BlockSpec((BLK, 3), lambda i: (i, 0)),
        pl.BlockSpec((BLK, 1), lambda i: (i, 0)),
        pl.BlockSpec((3, H), lambda i: (0, 0)),
        pl.BlockSpec((1, H), lambda i: (0, 0)),
        pl.BlockSpec((H, H), lambda i: (0, 0)),
    ],
    out_specs=pl.BlockSpec((2, BLK, HH), lambda i: (0, i, 0)),
    out_shape=jax.ShapeDtypeStruct((2, NPAD, HH), jnp.float32),
)


def _mid_body(agg_ref, y_ref, dinv_ref, b1_ref, w2_ref, y2_ref):
    y1 = jnp.concatenate([y_ref[0], y_ref[1]], axis=1)
    h1 = jnp.maximum(dinv_ref[...] * (agg_ref[...] + y1) + b1_ref[...], 0.0)
    xw2 = jnp.dot(h1, w2_ref[...], preferred_element_type=jnp.float32,
                  precision=lax.Precision.HIGHEST)
    y2 = dinv_ref[...] * xw2
    y2_ref[0] = y2[:, :HH]
    y2_ref[1] = y2[:, HH:]


_mid_call = pl.pallas_call(
    _mid_body,
    grid=(GRID,),
    in_specs=[
        pl.BlockSpec((BLK, H), lambda i: (i, 0)),
        pl.BlockSpec((2, BLK, HH), lambda i: (0, i, 0)),
        pl.BlockSpec((BLK, 1), lambda i: (i, 0)),
        pl.BlockSpec((1, H), lambda i: (0, 0)),
        pl.BlockSpec((H, H), lambda i: (0, 0)),
    ],
    out_specs=pl.BlockSpec((2, BLK, HH), lambda i: (0, i, 0)),
    out_shape=jax.ShapeDtypeStruct((2, NPAD, HH), jnp.float32),
)


def _out_body(agg2_ref, y0_ref, y1_ref, dinv_ref, batch_ref, b2_ref,
              wc1_ref, bc1_ref, wc2_ref, bc2_ref, out_ref, pool_acc, cnt_acc):
    i = pl.program_id(0)

    @pl.when(i == 0)
    def _():
        pool_acc[...] = jnp.zeros_like(pool_acc)
        cnt_acc[...] = jnp.zeros_like(cnt_acc)

    y = jnp.concatenate([y0_ref[0], y1_ref[0]], axis=1)
    h2 = jnp.maximum(dinv_ref[...] * (agg2_ref[...] + y) + b2_ref[...], 0.0)
    onehot = (batch_ref[...] == lax.broadcasted_iota(jnp.int32, (1, G), 1))
    onehot = onehot.astype(jnp.float32)
    pool_acc[...] += lax.dot_general(onehot, h2, (((0,), (0,)), ((), ())),
                                     preferred_element_type=jnp.float32,
                   precision=lax.Precision.HIGHEST)
    cnt_acc[...] += lax.dot_general(onehot, jnp.ones((BLK, 1), jnp.float32),
                                    (((0,), (0,)), ((), ())),
                                    preferred_element_type=jnp.float32,
                   precision=lax.Precision.HIGHEST)

    @pl.when(i == pl.num_programs(0) - 1)
    def _():
        pooled = pool_acc[...] / jnp.maximum(cnt_acc[...], 1.0)
        zc = jnp.dot(pooled, wc1_ref[...], preferred_element_type=jnp.float32,
                   precision=lax.Precision.HIGHEST)
        zc = jnp.maximum(zc + bc1_ref[...], 0.0)
        o = jnp.dot(zc, wc2_ref[...], preferred_element_type=jnp.float32,
                   precision=lax.Precision.HIGHEST)
        out_ref[...] = jax.nn.sigmoid(o + bc2_ref[...])


_out_call = pl.pallas_call(
    _out_body,
    grid=(GRID,),
    in_specs=[
        pl.BlockSpec((BLK, H), lambda i: (i, 0)),
        pl.BlockSpec((1, BLK, HH), lambda i: (0, i, 0)),
        pl.BlockSpec((1, BLK, HH), lambda i: (1, i, 0)),
        pl.BlockSpec((BLK, 1), lambda i: (i, 0)),
        pl.BlockSpec((BLK, 1), lambda i: (i, 0)),
        pl.BlockSpec((1, H), lambda i: (0, 0)),
        pl.BlockSpec((H, H), lambda i: (0, 0)),
        pl.BlockSpec((1, H), lambda i: (0, 0)),
        pl.BlockSpec((H, 1), lambda i: (0, 0)),
        pl.BlockSpec((1, 1), lambda i: (0, 0)),
    ],
    out_specs=pl.BlockSpec((G, 1), lambda i: (0, 0)),
    out_shape=jax.ShapeDtypeStruct((G, 1), jnp.float32),
    scratch_shapes=[
        pltpu.VMEM((G, H), jnp.float32),
        pltpu.VMEM((G, 1), jnp.float32),
    ],
)


def kernel(x, edge_index, batch, W_enc, b_enc, W1, b1, W2, b2,
           Wc1, bc1, Wc2, bc2):
    rows = edge_index[0]
    cols = edge_index[1]
    xp = jnp.concatenate([x, jnp.zeros((NPAD - N, 3), x.dtype)], axis=0)
    batch_p = jnp.concatenate(
        [batch, jnp.full((NPAD - N,), G, batch.dtype)], axis=0)
    zeros_h = jnp.zeros((ROWS_PER_TILE, HH), jnp.float32)

    deg_flat = _deg_kernel(cols)
    dinv_flat = _prep_call(deg_flat)
    dinv_col = dinv_flat.reshape(NPAD, 1)
    y1 = _pre1_call(xp, dinv_col, W_enc, b_enc.reshape(1, H), W1)
    agg1 = _spmm_kernel(rows, cols, y1, zeros_h)
    y2 = _mid_call(agg1, y1, dinv_col, b1.reshape(1, H), W2)
    agg2 = _spmm_kernel(rows, cols, y2, zeros_h)
    out = _out_call(agg2, y2, y2, dinv_col, batch_p.reshape(NPAD, 1),
                    b2.reshape(1, H), Wc1, bc1.reshape(1, H),
                    Wc2, bc2.reshape(1, 1))
    return out.reshape(G)

# --- scband reference (transcript-rebuilt; emitter-appended) ---
"""Pipeline reference for scband-event-gnn-39367670235223 (READ-ONLY COPY).

The authoritative reference and input builder live on the scoring server;
editing this copy changes nothing except your own understanding.
"""

import jax, jax.numpy as jnp
import numpy as np

N = 10000
E = 160000
H = 256
G = 64


def gcn_conv(x, edge_index, W, b):
    # PyG GCNConv: add self-loops, symmetric deg^{-1/2} normalization, linear transform, scatter-add to dst
    n = x.shape[0]
    loops = jnp.arange(n, dtype=edge_index.dtype)
    row = jnp.concatenate([edge_index[0], loops])  # src
    col = jnp.concatenate([edge_index[1], loops])  # dst
    xw = x @ W
    deg = jnp.zeros((n,), x.dtype).at[col].add(1.0)
    dinv = jax.lax.rsqrt(jnp.maximum(deg, 1e-12))
    norm = dinv[row] * dinv[col]
    msg = xw[row] * norm[:, None]
    out = jnp.zeros((n, W.shape[1]), x.dtype).at[col].add(msg)
    return out + b


def setup_inputs(seed: int = 0) -> dict:
    key = jax.random.key(seed)
    ks = jax.random.split(key, 13)
    x = jax.random.normal(ks[0], (N, 3), dtype=jnp.float32)
    edge_index = jax.random.randint(ks[1], (2, E), 0, N, dtype=jnp.int32)
    batch = jnp.sort(jax.random.randint(ks[2], (N,), 0, G, dtype=jnp.int32))
    s3 = 1.0 / np.sqrt(3.0)
    sh = 1.0 / np.sqrt(H)
    W_enc = jax.random.uniform(ks[3], (3, H), jnp.float32, -s3, s3)
    b_enc = jax.random.uniform(ks[4], (H,), jnp.float32, -s3, s3)
    W1 = jax.random.uniform(ks[5], (H, H), jnp.float32, -sh, sh)
    b1 = jnp.zeros((H,), jnp.float32)
    W2 = jax.random.uniform(ks[6], (H, H), jnp.float32, -sh, sh)
    b2 = jnp.zeros((H,), jnp.float32)
    Wc1 = jax.random.uniform(ks[7], (H, H), jnp.float32, -sh, sh)
    bc1 = jax.random.uniform(ks[8], (H,), jnp.float32, -sh, sh)
    Wc2 = jax.random.uniform(ks[9], (H, 1), jnp.float32, -sh, sh)
    bc2 = jax.random.uniform(ks[10], (1,), jnp.float32, -sh, sh)
    return {"x": x, "edge_index": edge_index, "batch": batch,
            "W_enc": W_enc, "b_enc": b_enc, "W1": W1, "b1": b1,
            "W2": W2, "b2": b2, "Wc1": Wc1, "bc1": bc1,
            "Wc2": Wc2, "bc2": bc2}


def reference(x, edge_index, batch, W_enc, b_enc, W1, b1, W2, b2, Wc1, bc1, Wc2, bc2):
    h = x @ W_enc + b_enc                      # node_encoder
    h = jax.nn.relu(gcn_conv(h, edge_index, W1, b1))
    h = jax.nn.relu(gcn_conv(h, edge_index, W2, b2))
    # global_mean_pool
    sums = jax.ops.segment_sum(h, batch, num_segments=G)
    counts = jax.ops.segment_sum(jnp.ones((h.shape[0],), h.dtype), batch, num_segments=G)
    pooled = sums / jnp.maximum(counts, 1.0)[:, None]
    # classifier (dropout = identity in eval)
    z = jax.nn.relu(pooled @ Wc1 + bc1)
    out = jax.nn.sigmoid(z @ Wc2 + bc2)
    return out.squeeze(1)

if __name__ == "__main__":
    import jax
    _d = setup_inputs()
    print(jax.jit(kernel)(*tuple(_d.values())))

</pallas_src>

<mosaic_0001>
#map = affine_map<(d0, d1) -> (0)>
#map1 = affine_map<(d0, d1) -> (0, 0, 0)>
#map2 = affine_map<(d0, d1) -> (0, 0)>
module attributes {stable_mosaic.version = 14 : i64} {
  func.func @_spmm_kernel(%arg0: i32, %arg1: i32, %arg2: memref<160000xi32, #tpu.memory_space<hbm>>, %arg3: memref<160000xi32, #tpu.memory_space<hbm>>, %arg4: memref<2x10240x128xf32, #tpu.memory_space<hbm>>, %arg5: memref<640x128xf32, #tpu.memory_space<hbm>>, %arg6: memref<10240x256xf32, #tpu.memory_space<hbm>>, %arg7: memref<128xi32, #tpu.memory_space<vmem>>, %arg8: memref<128xi32, #tpu.memory_space<vmem>>, %arg9: memref<16xi32, #tpu.memory_space<vmem>>, %arg10: memref<16xi32, #tpu.memory_space<vmem>>, %arg11: memref<128x128xf32, #tpu.memory_space<vmem>>, %arg12: memref<10240x128xf32, #tpu.memory_space<vmem_shared>>, %arg13: memref<!tpu.dma_semaphore, #tpu.memory_space<semaphore_mem>>) attributes {dimension_semantics = [#tpu.dimension_semantics<core_parallel>, #tpu.dimension_semantics<subcore_parallel>], iteration_bounds = array<i64: 2, 16>, scalar_prefetch = 0 : i64, scratch_operands = 7 : i64, tpu.core_type = #tpu.core_type<sc_vector_subcore>, window_params = [{transform_indices = #map}, {transform_indices = #map}, {transform_indices = #map1}, {transform_indices = #map2}, {transform_indices = #map2}]} {
    %mul3A = arith.constant 640 : i32
    %mul3A_0 = arith.muli %arg1, %mul3A : i32
    "tpu.region"() ({
      %run_scoped3A = tpu.sem_alloc : memref<!tpu.dma_semaphore, #tpu.memory_space<semaphore_mem>>
      %dma_start3A_30 = arith.constant 0 : i32
      %dma_start3A_31 = tpu.memref_slice %arg12[%mul3A_0, %dma_start3A_30] : memref<10240x128xf32, #tpu.memory_space<vmem_shared>> -> memref<640x128xf32, #tpu.memory_space<vmem_shared>>
      %dma_start3A_32 = arith.constant 0 : i32
      %dma_start3A_33 = arith.constant 0 : i32
      %dma_start3A_34 = tpu.memref_slice %arg5[%dma_start3A_32, %dma_start3A_33] : memref<640x128xf32, #tpu.memory_space<hbm>> -> memref<640x128xf32, #tpu.memory_space<hbm>>
      tpu.enqueue_dma source(%dma_start3A_34 : memref<640x128xf32, #tpu.memory_space<hbm>>) target(%dma_start3A_31 : memref<640x128xf32, #tpu.memory_space<vmem_shared>>) target_semaphore(%run_scoped3A : memref<!tpu.dma_semaphore, #tpu.memory_space<semaphore_mem>>)
      %dma_wait3A_35 = arith.constant 0 : i32
      %dma_wait3A_36 = tpu.memref_slice %arg12[%mul3A_0, %dma_wait3A_35] : memref<10240x128xf32, #tpu.memory_space<vmem_shared>> -> memref<640x128xf32, #tpu.memory_space<vmem_shared>>
      %dma_wait3A_37 = arith.constant 0 : i32
      %dma_wait3A_38 = arith.constant 0 : i32
      %dma_wait3A_39 = tpu.memref_slice %arg5[%dma_wait3A_37, %dma_wait3A_38] : memref<640x128xf32, #tpu.memory_space<hbm>> -> memref<640x128xf32, #tpu.memory_space<hbm>>
      tpu.wait_dma2 semaphore(%run_scoped3A : memref<!tpu.dma_semaphore, #tpu.memory_space<semaphore_mem>>) src(%dma_wait3A_39 : memref<640x128xf32, #tpu.memory_space<hbm>>) dst(%dma_wait3A_36 : memref<640x128xf32, #tpu.memory_space<vmem_shared>>)
      tpu.yield
    }) : () -> ()
    %barrier3A = arith.constant 0 : index
    tpu.barrier barrier_id(%barrier3A)
    %mul3A_1 = arith.constant 10000 : i32
    %mul3A_2 = arith.muli %arg1, %mul3A_1 : i32
    %scan3A = arith.constant 0 : i32
    %scan3A_3 = arith.constant 0 : i32
    %scan3A_4 = arith.constant 78 : i32
    %scan3A_5 = arith.addi %scan3A_3, %scan3A_4 : i32
    %scan3A_6 = arith.constant 1 : i32
    scf.for %scan3A_30 = %scan3A_3 to %scan3A_5 step %scan3A_6  : i32 {
      %mul3A_31 = arith.constant 128 : i32
      %mul3A_32 = arith.muli %scan3A_30, %mul3A_31 : i32
      %add3A_33 = arith.addi %mul3A_2, %mul3A_32 : i32
      "tpu.region"() ({
        %run_scoped3A = tpu.sem_alloc : memref<!tpu.dma_semaphore, #tpu.memory_space<semaphore_mem>>
        %dma_start3A_48 = tpu.memref_slice %arg2[%add3A_33] : memref<160000xi32, #tpu.memory_space<hbm>> -> memref<128xi32, #tpu.memory_space<hbm>>
        %dma_start3A_49 = tpu.memref_slice %arg2[%add3A_33] : memref<160000xi32, #tpu.memory_space<hbm>> -> memref<128xi32, #tpu.memory_space<hbm>>
        tpu.enqueue_dma source(%dma_start3A_49 : memref<128xi32, #tpu.memory_space<hbm>>) target(%arg7 : memref<128xi32, #tpu.memory_space<vmem>>) target_semaphore(%run_scoped3A : memref<!tpu.dma_semaphore, #tpu.memory_space<semaphore_mem>>)
        %dma_wait3A_50 = tpu.memref_slice %arg2[%add3A_33] : memref<160000xi32, #tpu.memory_space<hbm>> -> memref<128xi32, #tpu.memory_space<hbm>>
        %dma_wait3A_51 = tpu.memref_slice %arg2[%add3A_33] : memref<160000xi32, #tpu.memory_space<hbm>> -> memref<128xi32, #tpu.memory_space<hbm>>
        tpu.wait_dma2 semaphore(%run_scoped3A : memref<!tpu.dma_semaphore, #tpu.memory_space<semaphore_mem>>) src(%dma_wait3A_51 : memref<128xi32, #tpu.memory_space<hbm>>) dst(%arg7 : memref<128xi32, #tpu.memory_space<vmem>>)
        tpu.yield
      }) : () -> ()
      "tpu.region"() ({
        %run_scoped3A = tpu.sem_alloc : memref<!tpu.dma_semaphore, #tpu.memory_space<semaphore_mem>>
        %dma_start3A_48 = tpu.memref_slice %arg3[%add3A_33] : memref<160000xi32, #tpu.memory_space<hbm>> -> memref<128xi32, #tpu.memory_space<hbm>>
        %dma_start3A_49 = tpu.memref_slice %arg3[%add3A_33] : memref<160000xi32, #tpu.memory_space<hbm>> -> memref<128xi32, #tpu.memory_space<hbm>>
        tpu.enqueue_dma source(%dma_start3A_49 : memref<128xi32, #tpu.memory_space<hbm>>) target(%arg8 : memref<128xi32, #tpu.memory_space<vmem>>) target_semaphore(%run_scoped3A : memref<!tpu.dma_semaphore, #tpu.memory_space<semaphore_mem>>)
        %dma_wait3A_50 = tpu.memref_slice %arg3[%add3A_33] : memref<160000xi32, #tpu.memory_space<hbm>> -> memref<128xi32, #tpu.memory_space<hbm>>
        %dma_wait3A_51 = tpu.memref_slice %arg3[%add3A_33] : memref<160000xi32, #tpu.memory_space<hbm>> -> memref<128xi32, #tpu.memory_space<hbm>>
        tpu.wait_dma2 semaphore(%run_scoped3A : memref<!tpu.dma_semaphore, #tpu.memory_space<semaphore_mem>>) src(%dma_wait3A_51 : memref<128xi32, #tpu.memory_space<hbm>>) dst(%arg8 : memref<128xi32, #tpu.memory_space<vmem>>)
        tpu.yield
      }) : () -> ()
      %dma_start3A_34 = arith.constant 0 : i32
      %dma_start3A_35 = arith.constant 0 : i32
      %dma_start3A_36 = tpu.memref_slice %arg4[%arg0, %dma_start3A_34, %dma_start3A_35] : memref<2x10240x128xf32, #tpu.memory_space<hbm>> -> memref<1x10240x128xf32, #tpu.memory_space<hbm>>
      %dma_start3A_37 = tpu.memref_squeeze %dma_start3A_36 : memref<1x10240x128xf32, #tpu.memory_space<hbm>> -> memref<10240x128xf32, #tpu.memory_space<hbm>>
      %dma_start3A_38 = arith.constant 0 : i32
      %dma_start3A_39 = arith.constant 0 : i32
      %dma_start3A_40 = tpu.memref_slice %dma_start3A_37[%dma_start3A_38, %dma_start3A_39] : memref<10240x128xf32, #tpu.memory_space<hbm>> -> memref<10240x128xf32, #tpu.memory_space<hbm>>
      tpu.enqueue_indirect_dma source(%dma_start3A_40 : memref<10240x128xf32, #tpu.memory_space<hbm>>) target(%arg11 : memref<128x128xf32, #tpu.memory_space<vmem>>) offsets(%arg7 : memref<128xi32, #tpu.memory_space<vmem>>) semaphore(%arg13 : memref<!tpu.dma_semaphore, #tpu.memory_space<semaphore_mem>>)
      %dma_wait3A_41 = arith.constant 0 : i32
      %dma_wait3A_42 = arith.constant 0 : i32
      %dma_wait3A_43 = tpu.memref_slice %arg4[%arg0, %dma_wait3A_41, %dma_wait3A_42] : memref<2x10240x128xf32, #tpu.memory_space<hbm>> -> memref<1x10240x128xf32, #tpu.memory_space<hbm>>
      %dma_wait3A_44 = tpu.memref_squeeze %dma_wait3A_43 : memref<1x10240x128xf32, #tpu.memory_space<hbm>> -> memref<10240x128xf32, #tpu.memory_space<hbm>>
      %dma_wait3A_45 = arith.constant 0 : i32
      %dma_wait3A_46 = arith.constant 0 : i32
      %dma_wait3A_47 = tpu.memref_slice %dma_wait3A_44[%dma_wait3A_45, %dma_wait3A_46] : memref<10240x128xf32, #tpu.memory_space<hbm>> -> memref<10240x128xf32, #tpu.memory_space<hbm>>
      tpu.wait_indirect_dma semaphore(%arg13 : memref<!tpu.dma_semaphore, #tpu.memory_space<semaphore_mem>>) src(%dma_wait3A_47 : memref<10240x128xf32, #tpu.memory_space<hbm>>) dst(%arg11 : memref<128x128xf32, #tpu.memory_space<vmem>>)
      "tpu.region"() ({
        %run_scoped3A = tpu.sem_alloc : memref<!tpu.dma_semaphore, #tpu.memory_space<semaphore_mem>>
        %dma_start3A_48 = arith.constant 0 : i32
        %dma_start3A_49 = arith.constant 0 : i32
        %dma_start3A_50 = tpu.memref_slice %arg12[%dma_start3A_48, %dma_start3A_49] : memref<10240x128xf32, #tpu.memory_space<vmem_shared>> -> memref<10240x128xf32, #tpu.memory_space<vmem_shared>>
        tpu.enqueue_indirect_dma source(%arg11 : memref<128x128xf32, #tpu.memory_space<vmem>>) target(%dma_start3A_50 : memref<10240x128xf32, #tpu.memory_space<vmem_shared>>) offsets(%arg8 : memref<128xi32, #tpu.memory_space<vmem>>) semaphore(%run_scoped3A : memref<!tpu.dma_semaphore, #tpu.memory_space<semaphore_mem>>) {add = true}
        %dma_wait3A_51 = arith.constant 0 : i32
        %dma_wait3A_52 = arith.constant 0 : i32
        %dma_wait3A_53 = tpu.memref_slice %arg12[%dma_wait3A_51, %dma_wait3A_52] : memref<10240x128xf32, #tpu.memory_space<vmem_shared>> -> memref<10240x128xf32, #tpu.memory_space<vmem_shared>>
        tpu.wait_indirect_dma semaphore(%run_scoped3A : memref<!tpu.dma_semaphore, #tpu.memory_space<semaphore_mem>>) src(%arg11 : memref<128x128xf32, #tpu.memory_space<vmem>>) dst(%dma_wait3A_53 : memref<10240x128xf32, #tpu.memory_space<vmem_shared>>)
        tpu.yield
      }) : () -> ()
    }
    %scan3A_7 = arith.constant 78 : i32
    %add3A = arith.constant 9984 : i32
    %add3A_8 = arith.addi %mul3A_2, %add3A : i32
    "tpu.region"() ({
      %run_scoped3A = tpu.sem_alloc : memref<!tpu.dma_semaphore, #tpu.memory_space<semaphore_mem>>
      %dma_start3A_30 = tpu.memref_slice %arg2[%add3A_8] : memref<160000xi32, #tpu.memory_space<hbm>> -> memref<16xi32, #tpu.memory_space<hbm>>
      %dma_start3A_31 = tpu.memref_slice %arg2[%add3A_8] : memref<160000xi32, #tpu.memory_space<hbm>> -> memref<16xi32, #tpu.memory_space<hbm>>
      tpu.enqueue_dma source(%dma_start3A_31 : memref<16xi32, #tpu.memory_space<hbm>>) target(%arg9 : memref<16xi32, #tpu.memory_space<vmem>>) target_semaphore(%run_scoped3A : memref<!tpu.dma_semaphore, #tpu.memory_space<semaphore_mem>>)
      %dma_wait3A_32 = tpu.memref_slice %arg2[%add3A_8] : memref<160000xi32, #tpu.memory_space<hbm>> -> memref<16xi32, #tpu.memory_space<hbm>>
      %dma_wait3A_33 = tpu.memref_slice %arg2[%add3A_8] : memref<160000xi32, #tpu.memory_space<hbm>> -> memref<16xi32, #tpu.memory_space<hbm>>
      tpu.wait_dma2 semaphore(%run_scoped3A : memref<!tpu.dma_semaphore, #tpu.memory_space<semaphore_mem>>) src(%dma_wait3A_33 : memref<16xi32, #tpu.memory_space<hbm>>) dst(%arg9 : memref<16xi32, #tpu.memory_space<vmem>>)
      tpu.yield
    }) : () -> ()
    "tpu.region"() ({
      %run_scoped3A = tpu.sem_alloc : memref<!tpu.dma_semaphore, #tpu.memory_space<semaphore_mem>>
      %dma_start3A_30 = tpu.memref_slice %arg3[%add3A_8] : memref<160000xi32, #tpu.memory_space<hbm>> -> memref<16xi32, #tpu.memory_space<hbm>>
      %dma_start3A_31 = tpu.memref_slice %arg3[%add3A_8] : memref<160000xi32, #tpu.memory_space<hbm>> -> memref<16xi32, #tpu.memory_space<hbm>>
      tpu.enqueue_dma source(%dma_start3A_31 : memref<16xi32, #tpu.memory_space<hbm>>) target(%arg10 : memref<16xi32, #tpu.memory_space<vmem>>) target_semaphore(%run_scoped3A : memref<!tpu.dma_semaphore, #tpu.memory_space<semaphore_mem>>)
      %dma_wait3A_32 = tpu.memref_slice %arg3[%add3A_8] : memref<160000xi32, #tpu.memory_space<hbm>> -> memref<16xi32, #tpu.memory_space<hbm>>
      %dma_wait3A_33 = tpu.memref_slice %arg3[%add3A_8] : memref<160000xi32, #tpu.memory_space<hbm>> -> memref<16xi32, #tpu.memory_space<hbm>>
      tpu.wait_dma2 semaphore(%run_scoped3A : memref<!tpu.dma_semaphore, #tpu.memory_space<semaphore_mem>>) src(%dma_wait3A_33 : memref<16xi32, #tpu.memory_space<hbm>>) dst(%arg10 : memref<16xi32, #tpu.memory_space<vmem>>)
      tpu.yield
    }) : () -> ()
    %dma_start3A = arith.constant 0 : i32
    %dma_start3A_9 = arith.constant 0 : i32
    %dma_start3A_10 = tpu.memref_slice %arg11[%dma_start3A, %dma_start3A_9] : memref<128x128xf32, #tpu.memory_space<vmem>> -> memref<16x128xf32, #tpu.memory_space<vmem>>
    %dma_start3A_11 = arith.constant 0 : i32
    %dma_start3A_12 = arith.constant 0 : i32
    %dma_start3A_13 = tpu.memref_slice %arg4[%arg0, %dma_start3A_11, %dma_start3A_12] : memref<2x10240x128xf32, #tpu.memory_space<hbm>> -> memref<1x10240x128xf32, #tpu.memory_space<hbm>>
    %dma_start3A_14 = tpu.memref_squeeze %dma_start3A_13 : memref<1x10240x128xf32, #tpu.memory_space<hbm>> -> memref<10240x128xf32, #tpu.memory_space<hbm>>
    %dma_start3A_15 = arith.constant 0 : i32
    %dma_start3A_16 = arith.constant 0 : i32
    %dma_start3A_17 = tpu.memref_slice %dma_start3A_14[%dma_start3A_15, %dma_start3A_16] : memref<10240x128xf32, #tpu.memory_space<hbm>> -> memref<10240x128xf32, #tpu.memory_space<hbm>>
    tpu.enqueue_indirect_dma source(%dma_start3A_17 : memref<10240x128xf32, #tpu.memory_space<hbm>>) target(%dma_start3A_10 : memref<16x128xf32, #tpu.memory_space<vmem>>) offsets(%arg9 : memref<16xi32, #tpu.memory_space<vmem>>) semaphore(%arg13 : memref<!tpu.dma_semaphore, #tpu.memory_space<semaphore_mem>>)
    %dma_wait3A = arith.constant 0 : i32
    %dma_wait3A_18 = arith.constant 0 : i32
    %dma_wait3A_19 = tpu.memref_slice %arg11[%dma_wait3A, %dma_wait3A_18] : memref<128x128xf32, #tpu.memory_space<vmem>> -> memref<16x128xf32, #tpu.memory_space<vmem>>
    %dma_wait3A_20 = arith.constant 0 : i32
    %dma_wait3A_21 = arith.constant 0 : i32
    %dma_wait3A_22 = tpu.memref_slice %arg4[%arg0, %dma_wait3A_20, %dma_wait3A_21] : memref<2x10240x128xf32, #tpu.memory_space<hbm>> -> memref<1x10240x128xf32, #tpu.memory_space<hbm>>
    %dma_wait3A_23 = tpu.memref_squeeze %dma_wait3A_22 : memref<1x10240x128xf32, #tpu.memory_space<hbm>> -> memref<10240x128xf32, #tpu.memory_space<hbm>>
    %dma_wait3A_24 = arith.constant 0 : i32
    %dma_wait3A_25 = arith.constant 0 : i32
    %dma_wait3A_26 = tpu.memref_slice %dma_wait3A_23[%dma_wait3A_24, %dma_wait3A_25] : memref<10240x128xf32, #tpu.memory_space<hbm>> -> memref<10240x128xf32, #tpu.memory_space<hbm>>
    tpu.wait_indirect_dma semaphore(%arg13 : memref<!tpu.dma_semaphore, #tpu.memory_space<semaphore_mem>>) src(%dma_wait3A_26 : memref<10240x128xf32, #tpu.memory_space<hbm>>) dst(%dma_wait3A_19 : memref<16x128xf32, #tpu.memory_space<vmem>>)
    "tpu.region"() ({
      %run_scoped3A = tpu.sem_alloc : memref<!tpu.dma_semaphore, #tpu.memory_space<semaphore_mem>>
      %dma_start3A_30 = arith.constant 0 : i32
      %dma_start3A_31 = arith.constant 0 : i32
      %dma_start3A_32 = tpu.memref_slice %arg11[%dma_start3A_30, %dma_start3A_31] : memref<128x128xf32, #tpu.memory_space<vmem>> -> memref<16x128xf32, #tpu.memory_space<vmem>>
      %dma_start3A_33 = arith.constant 0 : i32
      %dma_start3A_34 = arith.constant 0 : i32
      %dma_start3A_35 = tpu.memref_slice %arg12[%dma_start3A_33, %dma_start3A_34] : memref<10240x128xf32, #tpu.memory_space<vmem_shared>> -> memref<10240x128xf32, #tpu.memory_space<vmem_shared>>
      tpu.enqueue_indirect_dma source(%dma_start3A_32 : memref<16x128xf32, #tpu.memory_space<vmem>>) target(%dma_start3A_35 : memref<10240x128xf32, #tpu.memory_space<vmem_shared>>) offsets(%arg10 : memref<16xi32, #tpu.memory_space<vmem>>) semaphore(%run_scoped3A : memref<!tpu.dma_semaphore, #tpu.memory_space<semaphore_mem>>) {add = true}
      %dma_wait3A_36 = arith.constant 0 : i32
      %dma_wait3A_37 = arith.constant 0 : i32
      %dma_wait3A_38 = tpu.memref_slice %arg11[%dma_wait3A_36, %dma_wait3A_37] : memref<128x128xf32, #tpu.memory_space<vmem>> -> memref<16x128xf32, #tpu.memory_space<vmem>>
      %dma_wait3A_39 = arith.constant 0 : i32
      %dma_wait3A_40 = arith.constant 0 : i32
      %dma_wait3A_41 = tpu.memref_slice %arg12[%dma_wait3A_39, %dma_wait3A_40] : memref<10240x128xf32, #tpu.memory_space<vmem_shared>> -> memref<10240x128xf32, #tpu.memory_space<vmem_shared>>
      tpu.wait_indirect_dma semaphore(%run_scoped3A : memref<!tpu.dma_semaphore, #tpu.memory_space<semaphore_mem>>) src(%dma_wait3A_38 : memref<16x128xf32, #tpu.memory_space<vmem>>) dst(%dma_wait3A_41 : memref<10240x128xf32, #tpu.memory_space<vmem_shared>>)
      tpu.yield
    }) : () -> ()
    %barrier3A_27 = arith.constant 0 : index
    tpu.barrier barrier_id(%barrier3A_27)
    %mul3A_28 = arith.constant 128 : i32
    %mul3A_29 = arith.muli %arg0, %mul3A_28 : i32
    "tpu.region"() ({
      %run_scoped3A = tpu.sem_alloc : memref<!tpu.dma_semaphore, #tpu.memory_space<semaphore_mem>>
      %dma_start3A_30 = tpu.memref_slice %arg6[%mul3A_0, %mul3A_29] : memref<10240x256xf32, #tpu.memory_space<hbm>> -> memref<640x128xf32, #tpu.memory_space<hbm>>
      %dma_start3A_31 = arith.constant 0 : i32
      %dma_start3A_32 = tpu.memref_slice %arg12[%mul3A_0, %dma_start3A_31] : memref<10240x128xf32, #tpu.memory_space<vmem_shared>> -> memref<640x128xf32, #tpu.memory_space<vmem_shared>>
      tpu.enqueue_dma source(%dma_start3A_32 : memref<640x128xf32, #tpu.memory_space<vmem_shared>>) target(%dma_start3A_30 : memref<640x128xf32, #tpu.memory_space<hbm>>) target_semaphore(%run_scoped3A : memref<!tpu.dma_semaphore, #tpu.memory_space<semaphore_mem>>)
      %dma_wait3A_33 = tpu.memref_slice %arg6[%mul3A_0, %mul3A_29] : memref<10240x256xf32, #tpu.memory_space<hbm>> -> memref<640x128xf32, #tpu.memory_space<hbm>>
      %dma_wait3A_34 = arith.constant 0 : i32
      %dma_wait3A_35 = tpu.memref_slice %arg12[%mul3A_0, %dma_wait3A_34] : memref<10240x128xf32, #tpu.memory_space<vmem_shared>> -> memref<640x128xf32, #tpu.memory_space<vmem_shared>>
      tpu.wait_dma2 semaphore(%run_scoped3A : memref<!tpu.dma_semaphore, #tpu.memory_space<semaphore_mem>>) src(%dma_wait3A_35 : memref<640x128xf32, #tpu.memory_space<vmem_shared>>) dst(%dma_wait3A_33 : memref<640x128xf32, #tpu.memory_space<hbm>>)
      tpu.yield
    }) : () -> ()
    return
  }
}

#map = affine_map<(d0, d1) -> (0)>
module attributes {stable_mosaic.version = 14 : i64} {
  func.func @_deg_kernel(%arg0: i32, %arg1: i32, %arg2: memref<160000xi32, #tpu.memory_space<hbm>>, %arg3: memref<20480xf32, #tpu.memory_space<hbm>>, %arg4: memref<128xi32, #tpu.memory_space<vmem>>, %arg5: memref<8xi32, #tpu.memory_space<vmem>>, %arg6: memref<128xf32, #tpu.memory_space<vmem>>, %arg7: memref<640xf32, #tpu.memory_space<vmem>>, %arg8: memref<10240xf32, #tpu.memory_space<vmem_shared>>) attributes {dimension_semantics = [#tpu.dimension_semantics<core_parallel>, #tpu.dimension_semantics<subcore_parallel>], iteration_bounds = array<i64: 2, 16>, scalar_prefetch = 0 : i64, scratch_operands = 5 : i64, tpu.core_type = #tpu.core_type<sc_vector_subcore>, window_params = [{transform_indices = #map}, {transform_indices = #map}]} {
    %mul3A = arith.constant 16 : i32
    %mul3A_0 = arith.muli %arg0, %mul3A : i32
    %add3A = arith.addi %mul3A_0, %arg1 : i32
    %broadcast_in_dim3A = arith.constant 1.000000e+00 : f32
    %broadcast_in_dim3A_1 = vector.broadcast %broadcast_in_dim3A : f32 to vector<16xf32>
    %swap3A = arith.constant 0 : index
    %swap3A_2 = tpu.vector_load %arg6[%swap3A] {strides = array<i32>} : memref<128xf32, #tpu.memory_space<vmem>>, vector<16xf32>,
    %swap3A_3 = vector.shape_cast %swap3A_2 : vector<16xf32> to vector<16xf32>
    %swap3A_4 = vector.shape_cast %broadcast_in_dim3A_1 : vector<16xf32> to vector<16xf32>
    tpu.vector_store %arg6[%swap3A], %swap3A_4 {strides = array<i32>} : memref<128xf32, #tpu.memory_space<vmem>>, vector<16xf32>,
    %broadcast_in_dim3A_5 = arith.constant 1.000000e+00 : f32
    %broadcast_in_dim3A_6 = vector.broadcast %broadcast_in_dim3A_5 : f32 to vector<16xf32>
    %swap3A_7 = arith.constant 16 : index
    %swap3A_8 = tpu.vector_load %arg6[%swap3A_7] {strides = array<i32>} : memref<128xf32, #tpu.memory_space<vmem>>, vector<16xf32>,
    %swap3A_9 = vector.shape_cast %swap3A_8 : vector<16xf32> to vector<16xf32>
    %swap3A_10 = vector.shape_cast %broadcast_in_dim3A_6 : vector<16xf32> to vector<16xf32>
    tpu.vector_store %arg6[%swap3A_7], %swap3A_10 {strides = array<i32>} : memref<128xf32, #tpu.memory_space<vmem>>, vector<16xf32>,
    %broadcast_in_dim3A_11 = arith.constant 1.000000e+00 : f32
    %broadcast_in_dim3A_12 = vector.broadcast %broadcast_in_dim3A_11 : f32 to vector<16xf32>
    %swap3A_13 = arith.constant 32 : index
    %swap3A_14 = tpu.vector_load %arg6[%swap3A_13] {strides = array<i32>} : memref<128xf32, #tpu.memory_space<vmem>>, vector<16xf32>,
    %swap3A_15 = vector.shape_cast %swap3A_14 : vector<16xf32> to vector<16xf32>
    %swap3A_16 = vector.shape_cast %broadcast_in_dim3A_12 : vector<16xf32> to vector<16xf32>
    tpu.vector_store %arg6[%swap3A_13], %swap3A_16 {strides = array<i32>} : memref<128xf32, #tpu.memory_space<vmem>>, vector<16xf32>,
    %broadcast_in_dim3A_17 = arith.constant 1.000000e+00 : f32
    %broadcast_in_dim3A_18 = vector.broadcast %broadcast_in_dim3A_17 : f32 to vector<16xf32>
    %swap3A_19 = arith.constant 48 : index
    %swap3A_20 = tpu.vector_load %arg6[%swap3A_19] {strides = array<i32>} : memref<128xf32, #tpu.memory_space<vmem>>, vector<16xf32>,
    %swap3A_21 = vector.shape_cast %swap3A_20 : vector<16xf32> to vector<16xf32>
    %swap3A_22 = vector.shape_cast %broadcast_in_dim3A_18 : vector<16xf32> to vector<16xf32>
    tpu.vector_store %arg6[%swap3A_19], %swap3A_22 {strides = array<i32>} : memref<128xf32, #tpu.memory_space<vmem>>, vector<16xf32>,
    %broadcast_in_dim3A_23 = arith.constant 1.000000e+00 : f32
    %broadcast_in_dim3A_24 = vector.broadcast %broadcast_in_dim3A_23 : f32 to vector<16xf32>
    %swap3A_25 = arith.constant 64 : index
    %swap3A_26 = tpu.vector_load %arg6[%swap3A_25] {strides = array<i32>} : memref<128xf32, #tpu.memory_space<vmem>>, vector<16xf32>,
    %swap3A_27 = vector.shape_cast %swap3A_26 : vector<16xf32> to vector<16xf32>
    %swap3A_28 = vector.shape_cast %broadcast_in_dim3A_24 : vector<16xf32> to vector<16xf32>
    tpu.vector_store %arg6[%swap3A_25], %swap3A_28 {strides = array<i32>} : memref<128xf32, #tpu.memory_space<vmem>>, vector<16xf32>,
    %broadcast_in_dim3A_29 = arith.constant 1.000000e+00 : f32
    %broadcast_in_dim3A_30 = vector.broadcast %broadcast_in_dim3A_29 : f32 to vector<16xf32>
    %swap3A_31 = arith.constant 80 : index
    %swap3A_32 = tpu.vector_load %arg6[%swap3A_31] {strides = array<i32>} : memref<128xf32, #tpu.memory_space<vmem>>, vector<16xf32>,
    %swap3A_33 = vector.shape_cast %swap3A_32 : vector<16xf32> to vector<16xf32>
    %swap3A_34 = vector.shape_cast %broadcast_in_dim3A_30 : vector<16xf32> to vector<16xf32>
    tpu.vector_store %arg6[%swap3A_31], %swap3A_34 {strides = array<i32>} : memref<128xf32, #tpu.memory_space<vmem>>, vector<16xf32>,
    %broadcast_in_dim3A_35 = arith.constant 1.000000e+00 : f32
    %broadcast_in_dim3A_36 = vector.broadcast %broadcast_in_dim3A_35 : f32 to vector<16xf32>
    %swap3A_37 = arith.constant 96 : index
    %swap3A_38 = tpu.vector_load %arg6[%swap3A_37] {strides = array<i32>} : memref<128xf32, #tpu.memory_space<vmem>>, vector<16xf32>,
    %swap3A_39 = vector.shape_cast %swap3A_38 : vector<16xf32> to vector<16xf32>
    %swap3A_40 = vector.shape_cast %broadcast_in_dim3A_36 : vector<16xf32> to vector<16xf32>
    tpu.vector_store %arg6[%swap3A_37], %swap3A_40 {strides = array<i32>} : memref<128xf32, #tpu.memory_space<vmem>>, vector<16xf32>,
    %broadcast_in_dim3A_41 = arith.constant 1.000000e+00 : f32
    %broadcast_in_dim3A_42 = vector.broadcast %broadcast_in_dim3A_41 : f32 to vector<16xf32>
    %swap3A_43 = arith.constant 112 : index
    %swap3A_44 = tpu.vector_load %arg6[%swap3A_43] {strides = array<i32>} : memref<128xf32, #tpu.memory_space<vmem>>, vector<16xf32>,
    %swap3A_45 = vector.shape_cast %swap3A_44 : vector<16xf32> to vector<16xf32>
    %swap3A_46 = vector.shape_cast %broadcast_in_dim3A_42 : vector<16xf32> to vector<16xf32>
    tpu.vector_store %arg6[%swap3A_43], %swap3A_46 {strides = array<i32>} : memref<128xf32, #tpu.memory_space<vmem>>, vector<16xf32>,
    %broadcast_in_dim3A_47 = arith.constant 0.000000e+00 : f32
    %broadcast_in_dim3A_48 = vector.broadcast %broadcast_in_dim3A_47 : f32 to vector<16xf32>
    %swap3A_49 = arith.constant 0 : index
    %swap3A_50 = tpu.vector_load %arg7[%swap3A_49] {strides = array<i32>} : memref<640xf32, #tpu.memory_space<vmem>>, vector<16xf32>,
    %swap3A_51 = vector.shape_cast %swap3A_50 : vector<16xf32> to vector<16xf32>
    %swap3A_52 = vector.shape_cast %broadcast_in_dim3A_48 : vector<16xf32> to vector<16xf32>
    tpu.vector_store %arg7[%swap3A_49], %swap3A_52 {strides = array<i32>} : memref<640xf32, #tpu.memory_space<vmem>>, vector<16xf32>,
    %broadcast_in_dim3A_53 = arith.constant 0.000000e+00 : f32
    %broadcast_in_dim3A_54 = vector.broadcast %broadcast_in_dim3A_53 : f32 to vector<16xf32>
    %swap3A_55 = arith.constant 16 : index
    %swap3A_56 = tpu.vector_load %arg7[%swap3A_55] {strides = array<i32>} : memref<640xf32, #tpu.memory_space<vmem>>, vector<16xf32>,
    %swap3A_57 = vector.shape_cast %swap3A_56 : vector<16xf32> to vector<16xf32>
    %swap3A_58 = vector.shape_cast %broadcast_in_dim3A_54 : vector<16xf32> to vector<16xf32>
    tpu.vector_store %arg7[%swap3A_55], %swap3A_58 {strides = array<i32>} : memref<640xf32, #tpu.memory_space<vmem>>, vector<16xf32>,
    %broadcast_in_dim3A_59 = arith.constant 0.000000e+00 : f32
    %broadcast_in_dim3A_60 = vector.broadcast %broadcast_in_dim3A_59 : f32 to vector<16xf32>
    %swap3A_61 = arith.constant 32 : index
    %swap3A_62 = tpu.vector_load %arg7[%swap3A_61] {strides = array<i32>} : memref<640xf32, #tpu.memory_space<vmem>>, vector<16xf32>,
    %swap3A_63 = vector.shape_cast %swap3A_62 : vector<16xf32> to vector<16xf32>
    %swap3A_64 = vector.shape_cast %broadcast_in_dim3A_60 : vector<16xf32> to vector<16xf32>
    tpu.vector_store %arg7[%swap3A_61], %swap3A_64 {strides = array<i32>} : memref<640xf32, #tpu.memory_space<vmem>>, vector<16xf32>,
    %broadcast_in_dim3A_65 = arith.constant 0.000000e+00 : f32
    %broadcast_in_dim3A_66 = vector.broadcast %broadcast_in_dim3A_65 : f32 to vector<16xf32>
    %swap3A_67 = arith.constant 48 : index
    %swap3A_68 = tpu.vector_load %arg7[%swap3A_67] {strides = array<i32>} : memref<640xf32, #tpu.memory_space<vmem>>, vector<16xf32>,
    %swap3A_69 = vector.shape_cast %swap3A_68 : vector<16xf32> to vector<16xf32>
    %swap3A_70 = vector.shape_cast %broadcast_in_dim3A_66 : vector<16xf32> to vector<16xf32>
    tpu.vector_store %arg7[%swap3A_67], %swap3A_70 {strides = array<i32>} : memref<640xf32, #tpu.memory_space<vmem>>, vector<16xf32>,
    %broadcast_in_dim3A_71 = arith.constant 0.000000e+00 : f32
    %broadcast_in_dim3A_72 = vector.broadcast %broadcast_in_dim3A_71 : f32 to vector<16xf32>
    %swap3A_73 = arith.constant 64 : index
    %swap3A_74 = tpu.vector_load %arg7[%swap3A_73] {strides = array<i32>} : memref<640xf32, #tpu.memory_space<vmem>>, vector<16xf32>,
    %swap3A_75 = vector.shape_cast %swap3A_74 : vector<16xf32> to vector<16xf32>
    %swap3A_76 = vector.shape_cast %broadcast_in_dim3A_72 : vector<16xf32> to vector<16xf32>
    tpu.vector_store %arg7[%swap3A_73], %swap3A_76 {strides = array<i32>} : memref<640xf32, #tpu.memory_space<vmem>>, vector<16xf32>,
    %broadcast_in_dim3A_77 = arith.constant 0.000000e+00 : f32
    %broadcast_in_dim3A_78 = vector.broadcast %broadcast_in_dim3A_77 : f32 to vector<16xf32>
    %swap3A_79 = arith.constant 80 : index
    %swap3A_80 = tpu.vector_load %arg7[%swap3A_79] {strides = array<i32>} : memref<640xf32, #tpu.memory_space<vmem>>, vector<16xf32>,
    %swap3A_81 = vector.shape_cast %swap3A_80 : vector<16xf32> to vector<16xf32>
    %swap3A_82 = vector.shape_cast %broadcast_in_dim3A_78 : vector<16xf32> to vector<16xf32>
    tpu.vector_store %arg7[%swap3A_79], %swap3A_82 {strides = array<i32>} : memref<640xf32, #tpu.memory_space<vmem>>, vector<16xf32>,
    %broadcast_in_dim3A_83 = arith.constant 0.000000e+00 : f32
    %broadcast_in_dim3A_84 = vector.broadcast %broadcast_in_dim3A_83 : f32 to vector<16xf32>
    %swap3A_85 = arith.constant 96 : index
    %swap3A_86 = tpu.vector_load %arg7[%swap3A_85] {strides = array<i32>} : memref<640xf32, #tpu.memory_space<vmem>>, vector<16xf32>,
    %swap3A_87 = vector.shape_cast %swap3A_86 : vector<16xf32> to vector<16xf32>
    %swap3A_88 = vector.shape_cast %broadcast_in_dim3A_84 : vector<16xf32> to vector<16xf32>
    tpu.vector_store %arg7[%swap3A_85], %swap3A_88 {strides = array<i32>} : memref<640xf32, #tpu.memory_space<vmem>>, vector<16xf32>,
    %broadcast_in_dim3A_89 = arith.constant 0.000000e+00 : f32
    %broadcast_in_dim3A_90 = vector.broadcast %broadcast_in_dim3A_89 : f32 to vector<16xf32>
    %swap3A_91 = arith.constant 112 : index
    %swap3A_92 = tpu.vector_load %arg7[%swap3A_91] {strides = array<i32>} : memref<640xf32, #tpu.memory_space<vmem>>, vector<16xf32>,
    %swap3A_93 = vector.shape_cast %swap3A_92 : vector<16xf32> to vector<16xf32>
    %swap3A_94 = vector.shape_cast %broadcast_in_dim3A_90 : vector<16xf32> to vector<16xf32>
    tpu.vector_store %arg7[%swap3A_91], %swap3A_94 {strides = array<i32>} : memref<640xf32, #tpu.memory_space<vmem>>, vector<16xf32>,
    %broadcast_in_dim3A_95 = arith.constant 0.000000e+00 : f32
    %broadcast_in_dim3A_96 = vector.broadcast %broadcast_in_dim3A_95 : f32 to vector<16xf32>
    %swap3A_97 = arith.constant 128 : index
    %swap3A_98 = tpu.vector_load %arg7[%swap3A_97] {strides = array<i32>} : memref<640xf32, #tpu.memory_space<vmem>>, vector<16xf32>,
    %swap3A_99 = vector.shape_cast %swap3A_98 : vector<16xf32> to vector<16xf32>
    %swap3A_100 = vector.shape_cast %broadcast_in_dim3A_96 : vector<16xf32> to vector<16xf32>
    tpu.vector_store %arg7[%swap3A_97], %swap3A_100 {strides = array<i32>} : memref<640xf32, #tpu.memory_space<vmem>>, vector<16xf32>,
    %broadcast_in_dim3A_101 = arith.constant 0.000000e+00 : f32
    %broadcast_in_dim3A_102 = vector.broadcast %broadcast_in_dim3A_101 : f32 to vector<16xf32>
    %swap3A_103 = arith.constant 144 : index
    %swap3A_104 = tpu.vector_load %arg7[%swap3A_103] {strides = array<i32>} : memref<640xf32, #tpu.memory_space<vmem>>, vector<16xf32>,
    %swap3A_105 = vector.shape_cast %swap3A_104 : vector<16xf32> to vector<16xf32>
    %swap3A_106 = vector.shape_cast %broadcast_in_dim3A_102 : vector<16xf32> to vector<16xf32>
    tpu.vector_store %arg7[%swap3A_103], %swap3A_106 {strides = array<i32>} : memref<640xf32, #tpu.memory_space<vmem>>, vector<16xf32>,
    %broadcast_in_dim3A_107 = arith.constant 0.000000e+00 : f32
    %broadcast_in_dim3A_108 = vector.broadcast %broadcast_in_dim3A_107 : f32 to vector<16xf32>
    %swap3A_109 = arith.constant 160 : index
    %swap3A_110 = tpu.vector_load %arg7[%swap3A_109] {strides = array<i32>} : memref<640xf32, #tpu.memory_space<vmem>>, vector<16xf32>,
    %swap3A_111 = vector.shape_cast %swap3A_110 : vector<16xf32> to vector<16xf32>
    %swap3A_112 = vector.shape_cast %broadcast_in_dim3A_108 : vector<16xf32> to vector<16xf32>
    tpu.vector_store %arg7[%swap3A_109], %swap3A_112 {strides = array<i32>} : memref<640xf32, #tpu.memory_space<vmem>>, vector<16xf32>,
    %broadcast_in_dim3A_113 = arith.constant 0.000000e+00 : f32
    %broadcast_in_dim3A_114 = vector.broadcast %broadcast_in_dim3A_113 : f32 to vector<16xf32>
    %swap3A_115 = arith.constant 176 : index
    %swap3A_116 = tpu.vector_load %arg7[%swap3A_115] {strides = array<i32>} : memref<640xf32, #tpu.memory_space<vmem>>, vector<16xf32>,
    %swap3A_117 = vector.shape_cast %swap3A_116 : vector<16xf32> to vector<16xf32>
    %swap3A_118 = vector.shape_cast %broadcast_in_dim3A_114 : vector<16xf32> to vector<16xf32>
    tpu.vector_store %arg7[%swap3A_115], %swap3A_118 {strides = array<i32>} : memref<640xf32, #tpu.memory_space<vmem>>, vector<16xf32>,
    %broadcast_in_dim3A_119 = arith.constant 0.000000e+00 : f32
    %broadcast_in_dim3A_120 = vector.broadcast %broadcast_in_dim3A_119 : f32 to vector<16xf32>
    %swap3A_121 = arith.constant 192 : index
    %swap3A_122 = tpu.vector_load %arg7[%swap3A_121] {strides = array<i32>} : memref<640xf32, #tpu.memory_space<vmem>>, vector<16xf32>,
    %swap3A_123 = vector.shape_cast %swap3A_122 : vector<16xf32> to vector<16xf32>
    %swap3A_124 = vector.shape_cast %broadcast_in_dim3A_120 : vector<16xf32> to vector<16xf32>
    tpu.vector_store %arg7[%swap3A_121], %swap3A_124 {strides = array<i32>} : memref<640xf32, #tpu.memory_space<vmem>>, vector<16xf32>,
    %broadcast_in_dim3A_125 = arith.constant 0.000000e+00 : f32
    %broadcast_in_dim3A_126 = vector.broadcast %broadcast_in_dim3A_125 : f32 to vector<16xf32>
    %swap3A_127 = arith.constant 208 : index
    %swap3A_128 = tpu.vector_load %arg7[%swap3A_127] {strides = array<i32>} : memref<640xf32, #tpu.memory_space<vmem>>, vector<16xf32>,
    %swap3A_129 = vector.shape_cast %swap3A_128 : vector<16xf32> to vector<16xf32>
    %swap3A_130 = vector.shape_cast %broadcast_in_dim3A_126 : vector<16xf32> to vector<16xf32>
    tpu.vector_store %arg7[%swap3A_127], %swap3A_130 {strides = array<i32>} : memref<640xf32, #tpu.memory_space<vmem>>, vector<16xf32>,
    %broadcast_in_dim3A_131 = arith.constant 0.000000e+00 : f32
    %broadcast_in_dim3A_132 = vector.broadcast %broadcast_in_dim3A_131 : f32 to vector<16xf32>
    %swap3A_133 = arith.constant 224 : index
    %swap3A_134 = tpu.vector_load %arg7[%swap3A_133] {strides = array<i32>} : memref<640xf32, #tpu.memory_space<vmem>>, vector<16xf32>,
    %swap3A_135 = vector.shape_cast %swap3A_134 : vector<16xf32> to vector<16xf32>
    %swap3A_136 = vector.shape_cast %broadcast_in_dim3A_132 : vector<16xf32> to vector<16xf32>
    tpu.vector_store %arg7[%swap3A_133], %swap3A_136 {strides = array<i32>} : memref<640xf32, #tpu.memory_space<vmem>>, vector<16xf32>,
    %broadcast_in_dim3A_137 = arith.constant 0.000000e+00 : f32
    %broadcast_in_dim3A_138 = vector.broadcast %broadcast_in_dim3A_137 : f32 to vector<16xf32>
    %swap3A_139 = arith.constant 240 : index
    %swap3A_140 = tpu.vector_load %arg7[%swap3A_139] {strides = array<i32>} : memref<640xf32, #tpu.memory_space<vmem>>, vector<16xf32>,
    %swap3A_141 = vector.shape_cast %swap3A_140 : vector<16xf32> to vector<16xf32>
    %swap3A_142 = vector.shape_cast %broadcast_in_dim3A_138 : vector<16xf32> to vector<16xf32>
    tpu.vector_store %arg7[%swap3A_139], %swap3A_142 {strides = array<i32>} : memref<640xf32, #tpu.memory_space<vmem>>, vector<16xf32>,
    %broadcast_in_dim3A_143 = arith.constant 0.000000e+00 : f32
    %broadcast_in_dim3A_144 = vector.broadcast %broadcast_in_dim3A_143 : f32 to vector<16xf32>
    %swap3A_145 = arith.constant 256 : index
    %swap3A_146 = tpu.vector_load %arg7[%swap3A_145] {strides = array<i32>} : memref<640xf32, #tpu.memory_space<vmem>>, vector<16xf32>,
    %swap3A_147 = vector.shape_cast %swap3A_146 : vector<16xf32> to vector<16xf32>
    %swap3A_148 = vector.shape_cast %broadcast_in_dim3A_144 : vector<16xf32> to vector<16xf32>
    tpu.vector_store %arg7[%swap3A_145], %swap3A_148 {strides = array<i32>} : memref<640xf32, #tpu.memory_space<vmem>>, vector<16xf32>,
    %broadcast_in_dim3A_149 = arith.constant 0.000000e+00 : f32
    %broadcast_in_dim3A_150 = vector.broadcast %broadcast_in_dim3A_149 : f32 to vector<16xf32>
    %swap3A_151 = arith.constant 272 : index
    %swap3A_152 = tpu.vector_load %arg7[%swap3A_151] {strides = array<i32>} : memref<640xf32, #tpu.memory_space<vmem>>, vector<16xf32>,
    %swap3A_153 = vector.shape_cast %swap3A_152 : vector<16xf32> to vector<16xf32>
    %swap3A_154 = vector.shape_cast %broadcast_in_dim3A_150 : vector<16xf32> to vector<16xf32>
    tpu.vector_store %arg7[%swap3A_151], %swap3A_154 {strides = array<i32>} : memref<640xf32, #tpu.memory_space<vmem>>, vector<16xf32>,
    %broadcast_in_dim3A_155 = arith.constant 0.000000e+00 : f32
    %broadcast_in_dim3A_156 = vector.broadcast %broadcast_in_dim3A_155 : f32 to vector<16xf32>
    %swap3A_157 = arith.constant 288 : index
    %swap3A_158 = tpu.vector_load %arg7[%swap3A_157] {strides = array<i32>} : memref<640xf32, #tpu.memory_space<vmem>>, vector<16xf32>,
    %swap3A_159 = vector.shape_cast %swap3A_158 : vector<16xf32> to vector<16xf32>
    %swap3A_160 = vector.shape_cast %broadcast_in_dim3A_156 : vector<16xf32> to vector<16xf32>
    tpu.vector_store %arg7[%swap3A_157], %swap3A_160 {strides = array<i32>} : memref<640xf32, #tpu.memory_space<vmem>>, vector<16xf32>,
    %broadcast_in_dim3A_161 = arith.constant 0.000000e+00 : f32
    %broadcast_in_dim3A_162 = vector.broadcast %broadcast_in_dim3A_161 : f32 to vector<16xf32>
    %swap3A_163 = arith.constant 304 : index
    %swap3A_164 = tpu.vector_load %arg7[%swap3A_163] {strides = array<i32>} : memref<640xf32, #tpu.memory_space<vmem>>, vector<16xf32>,
    %swap3A_165 = vector.shape_cast %swap3A_164 : vector<16xf32> to vector<16xf32>
    %swap3A_166 = vector.shape_cast %broadcast_in_dim3A_162 : vector<16xf32> to vector<16xf32>
    tpu.vector_store %arg7[%swap3A_163], %swap3A_166 {strides = array<i32>} : memref<640xf32, #tpu.memory_space<vmem>>, vector<16xf32>,
    %broadcast_in_dim3A_167 = arith.constant 0.000000e+00 : f32
    %broadcast_in_dim3A_168 = vector.broadcast %broadcast_in_dim3A_167 : f32 to vector<16xf32>
    %swap3A_169 = arith.constant 320 : index
    %swap3A_170 = tpu.vector_load %arg7[%swap3A_169] {strides = array<i32>} : memref<640xf32, #tpu.memory_space<vmem>>, vector<16xf32>,
    %swap3A_171 = vector.shape_cast %swap3A_170 : vector<16xf32> to vector<16xf32>
    %swap3A_172 = vector.shape_cast %broadcast_in_dim3A_168 : vector<16xf32> to vector<16xf32>
    tpu.vector_store %arg7[%swap3A_169], %swap3A_172 {strides = array<i32>} : memref<640xf32, #tpu.memory_space<vmem>>, vector<16xf32>,
    %broadcast_in_dim3A_173 = arith.constant 0.000000e+00 : f32
    %broadcast_in_dim3A_174 = vector.broadcast %broadcast_in_dim3A_173 : f32 to vector<16xf32>
    %swap3A_175 = arith.constant 336 : index
    %swap3A_176 = tpu.vector_load %arg7[%swap3A_175] {strides = array<i32>} : memref<640xf32, #tpu.memory_space<vmem>>, vector<16xf32>,
    %swap3A_177 = vector.shape_cast %swap3A_176 : vector<16xf32> to vector<16xf32>
    %swap3A_178 = vector.shape_cast %broadcast_in_dim3A_174 : vector<16xf32> to vector<16xf32>
    tpu.vector_store %arg7[%swap3A_175], %swap3A_178 {strides = array<i32>} : memref<640xf32, #tpu.memory_space<vmem>>, vector<16xf32>,
    %broadcast_in_dim3A_179 = arith.constant 0.000000e+00 : f32
    %broadcast_in_dim3A_180 = vector.broadcast %broadcast_in_dim3A_179 : f32 to vector<16xf32>
    %swap3A_181 = arith.constant 352 : index
    %swap3A_182 = tpu.vector_load %arg7[%swap3A_181] {strides = array<i32>} : memref<640xf32, #tpu.memory_space<vmem>>, vector<16xf32>,
    %swap3A_183 = vector.shape_cast %swap3A_182 : vector<16xf32> to vector<16xf32>
    %swap3A_184 = vector.shape_cast %broadcast_in_dim3A_180 : vector<16xf32> to vector<16xf32>
    tpu.vector_store %arg7[%swap3A_181], %swap3A_184 {strides = array<i32>} : memref<640xf32, #tpu.memory_space<vmem>>, vector<16xf32>,
    %broadcast_in_dim3A_185 = arith.constant 0.000000e+00 : f32
    %broadcast_in_dim3A_186 = vector.broadcast %broadcast_in_dim3A_185 : f32 to vector<16xf32>
    %swap3A_187 = arith.constant 368 : index
    %swap3A_188 = tpu.vector_load %arg7[%swap3A_187] {strides = array<i32>} : memref<640xf32, #tpu.memory_space<vmem>>, vector<16xf32>,
    %swap3A_189 = vector.shape_cast %swap3A_188 : vector<16xf32> to vector<16xf32>
    %swap3A_190 = vector.shape_cast %broadcast_in_dim3A_186 : vector<16xf32> to vector<16xf32>
    tpu.vector_store %arg7[%swap3A_187], %swap3A_190 {strides = array<i32>} : memref<640xf32, #tpu.memory_space<vmem>>, vector<16xf32>,
    %broadcast_in_dim3A_191 = arith.constant 0.000000e+00 : f32
    %broadcast_in_dim3A_192 = vector.broadcast %broadcast_in_dim3A_191 : f32 to vector<16xf32>
    %swap3A_193 = arith.constant 384 : index
    %swap3A_194 = tpu.vector_load %arg7[%swap3A_193] {strides = array<i32>} : memref<640xf32, #tpu.memory_space<vmem>>, vector<16xf32>,
    %swap3A_195 = vector.shape_cast %swap3A_194 : vector<16xf32> to vector<16xf32>
    %swap3A_196 = vector.shape_cast %broadcast_in_dim3A_192 : vector<16xf32> to vector<16xf32>
    tpu.vector_store %arg7[%swap3A_193], %swap3A_196 {strides = array<i32>} : memref<640xf32, #tpu.memory_space<vmem>>, vector<16xf32>,
    %broadcast_in_dim3A_197 = arith.constant 0.000000e+00 : f32
    %broadcast_in_dim3A_198 = vector.broadcast %broadcast_in_dim3A_197 : f32 to vector<16xf32>
    %swap3A_199 = arith.constant 400 : index
    %swap3A_200 = tpu.vector_load %arg7[%swap3A_199] {strides = array<i32>} : memref<640xf32, #tpu.memory_space<vmem>>, vector<16xf32>,
    %swap3A_201 = vector.shape_cast %swap3A_200 : vector<16xf32> to vector<16xf32>
    %swap3A_202 = vector.shape_cast %broadcast_in_dim3A_198 : vector<16xf32> to vector<16xf32>
    tpu.vector_store %arg7[%swap3A_199], %swap3A_202 {strides = array<i32>} : memref<640xf32, #tpu.memory_space<vmem>>, vector<16xf32>,
    %broadcast_in_dim3A_203 = arith.constant 0.000000e+00 : f32
    %broadcast_in_dim3A_204 = vector.broadcast %broadcast_in_dim3A_203 : f32 to vector<16xf32>
    %swap3A_205 = arith.constant 416 : index
    %swap3A_206 = tpu.vector_load %arg7[%swap3A_205] {strides = array<i32>} : memref<640xf32, #tpu.memory_space<vmem>>, vector<16xf32>,
    %swap3A_207 = vector.shape_cast %swap3A_206 : vector<16xf32> to vector<16xf32>
    %swap3A_208 = vector.shape_cast %broadcast_in_dim3A_204 : vector<16xf32> to vector<16xf32>
    tpu.vector_store %arg7[%swap3A_205], %swap3A_208 {strides = array<i32>} : memref<640xf32, #tpu.memory_space<vmem>>, vector<16xf32>,
    %broadcast_in_dim3A_209 = arith.constant 0.000000e+00 : f32
    %broadcast_in_dim3A_210 = vector.broadcast %broadcast_in_dim3A_209 : f32 to vector<16xf32>
    %swap3A_211 = arith.constant 432 : index
    %swap3A_212 = tpu.vector_load %arg7[%swap3A_211] {strides = array<i32>} : memref<640xf32, #tpu.memory_space<vmem>>, vector<16xf32>,
    %swap3A_213 = vector.shape_cast %swap3A_212 : vector<16xf32> to vector<16xf32>
    %swap3A_214 = vector.shape_cast %broadcast_in_dim3A_210 : vector<16xf32> to vector<16xf32>
    tpu.vector_store %arg7[%swap3A_211], %swap3A_214 {strides = array<i32>} : memref<640xf32, #tpu.memory_space<vmem>>, vector<16xf32>,
    %broadcast_in_dim3A_215 = arith.constant 0.000000e+00 : f32
    %broadcast_in_dim3A_216 = vector.broadcast %broadcast_in_dim3A_215 : f32 to vector<16xf32>
    %swap3A_217 = arith.constant 448 : index
    %swap3A_218 = tpu.vector_load %arg7[%swap3A_217] {strides = array<i32>} : memref<640xf32, #tpu.memory_space<vmem>>, vector<16xf32>,
    %swap3A_219 = vector.shape_cast %swap3A_218 : vector<16xf32> to vector<16xf32>
    %swap3A_220 = vector.shape_cast %broadcast_in_dim3A_216 : vector<16xf32> to vector<16xf32>
    tpu.vector_store %arg7[%swap3A_217], %swap3A_220 {strides = array<i32>} : memref<640xf32, #tpu.memory_space<vmem>>, vector<16xf32>,
    %broadcast_in_dim3A_221 = arith.constant 0.000000e+00 : f32
    %broadcast_in_dim3A_222 = vector.broadcast %broadcast_in_dim3A_221 : f32 to vector<16xf32>
    %swap3A_223 = arith.constant 464 : index
    %swap3A_224 = tpu.vector_load %arg7[%swap3A_223] {strides = array<i32>} : memref<640xf32, #tpu.memory_space<vmem>>, vector<16xf32>,
    %swap3A_225 = vector.shape_cast %swap3A_224 : vector<16xf32> to vector<16xf32>
    %swap3A_226 = vector.shape_cast %broadcast_in_dim3A_222 : vector<16xf32> to vector<16xf32>
    tpu.vector_store %arg7[%swap3A_223], %swap3A_226 {strides = array<i32>} : memref<640xf32, #tpu.memory_space<vmem>>, vector<16xf32>,
    %broadcast_in_dim3A_227 = arith.constant 0.000000e+00 : f32
    %broadcast_in_dim3A_228 = vector.broadcast %broadcast_in_dim3A_227 : f32 to vector<16xf32>
    %swap3A_229 = arith.constant 480 : index
    %swap3A_230 = tpu.vector_load %arg7[%swap3A_229] {strides = array<i32>} : memref<640xf32, #tpu.memory_space<vmem>>, vector<16xf32>,
    %swap3A_231 = vector.shape_cast %swap3A_230 : vector<16xf32> to vector<16xf32>
    %swap3A_232 = vector.shape_cast %broadcast_in_dim3A_228 : vector<16xf32> to vector<16xf32>
    tpu.vector_store %arg7[%swap3A_229], %swap3A_232 {strides = array<i32>} : memref<640xf32, #tpu.memory_space<vmem>>, vector<16xf32>,
    %broadcast_in_dim3A_233 = arith.constant 0.000000e+00 : f32
    %broadcast_in_dim3A_234 = vector.broadcast %broadcast_in_dim3A_233 : f32 to vector<16xf32>
    %swap3A_235 = arith.constant 496 : index
    %swap3A_236 = tpu.vector_load %arg7[%swap3A_235] {strides = array<i32>} : memref<640xf32, #tpu.memory_space<vmem>>, vector<16xf32>,
    %swap3A_237 = vector.shape_cast %swap3A_236 : vector<16xf32> to vector<16xf32>
    %swap3A_238 = vector.shape_cast %broadcast_in_dim3A_234 : vector<16xf32> to vector<16xf32>
    tpu.vector_store %arg7[%swap3A_235], %swap3A_238 {strides = array<i32>} : memref<640xf32, #tpu.memory_space<vmem>>, vector<16xf32>,
    %broadcast_in_dim3A_239 = arith.constant 0.000000e+00 : f32
    %broadcast_in_dim3A_240 = vector.broadcast %broadcast_in_dim3A_239 : f32 to vector<16xf32>
    %swap3A_241 = arith.constant 512 : index
    %swap3A_242 = tpu.vector_load %arg7[%swap3A_241] {strides = array<i32>} : memref<640xf32, #tpu.memory_space<vmem>>, vector<16xf32>,
    %swap3A_243 = vector.shape_cast %swap3A_242 : vector<16xf32> to vector<16xf32>
    %swap3A_244 = vector.shape_cast %broadcast_in_dim3A_240 : vector<16xf32> to vector<16xf32>
    tpu.vector_store %arg7[%swap3A_241], %swap3A_244 {strides = array<i32>} : memref<640xf32, #tpu.memory_space<vmem>>, vector<16xf32>,
    %broadcast_in_dim3A_245 = arith.constant 0.000000e+00 : f32
    %broadcast_in_dim3A_246 = vector.broadcast %broadcast_in_dim3A_245 : f32 to vector<16xf32>
    %swap3A_247 = arith.constant 528 : index
    %swap3A_248 = tpu.vector_load %arg7[%swap3A_247] {strides = array<i32>} : memref<640xf32, #tpu.memory_space<vmem>>, vector<16xf32>,
    %swap3A_249 = vector.shape_cast %swap3A_248 : vector<16xf32> to vector<16xf32>
    %swap3A_250 = vector.shape_cast %broadcast_in_dim3A_246 : vector<16xf32> to vector<16xf32>
    tpu.vector_store %arg7[%swap3A_247], %swap3A_250 {strides = array<i32>} : memref<640xf32, #tpu.memory_space<vmem>>, vector<16xf32>,
    %broadcast_in_dim3A_251 = arith.constant 0.000000e+00 : f32
    %broadcast_in_dim3A_252 = vector.broadcast %broadcast_in_dim3A_251 : f32 to vector<16xf32>
    %swap3A_253 = arith.constant 544 : index
    %swap3A_254 = tpu.vector_load %arg7[%swap3A_253] {strides = array<i32>} : memref<640xf32, #tpu.memory_space<vmem>>, vector<16xf32>,
    %swap3A_255 = vector.shape_cast %swap3A_254 : vector<16xf32> to vector<16xf32>
    %swap3A_256 = vector.shape_cast %broadcast_in_dim3A_252 : vector<16xf32> to vector<16xf32>
    tpu.vector_store %arg7[%swap3A_253], %swap3A_256 {strides = array<i32>} : memref<640xf32, #tpu.memory_space<vmem>>, vector<16xf32>,
    %broadcast_in_dim3A_257 = arith.constant 0.000000e+00 : f32
    %broadcast_in_dim3A_258 = vector.broadcast %broadcast_in_dim3A_257 : f32 to vector<16xf32>
    %swap3A_259 = arith.constant 560 : index
    %swap3A_260 = tpu.vector_load %arg7[%swap3A_259] {strides = array<i32>} : memref<640xf32, #tpu.memory_space<vmem>>, vector<16xf32>,
    %swap3A_261 = vector.shape_cast %swap3A_260 : vector<16xf32> to vector<16xf32>
    %swap3A_262 = vector.shape_cast %broadcast_in_dim3A_258 : vector<16xf32> to vector<16xf32>
    tpu.vector_store %arg7[%swap3A_259], %swap3A_262 {strides = array<i32>} : memref<640xf32, #tpu.memory_space<vmem>>, vector<16xf32>,
    %broadcast_in_dim3A_263 = arith.constant 0.000000e+00 : f32
    %broadcast_in_dim3A_264 = vector.broadcast %broadcast_in_dim3A_263 : f32 to vector<16xf32>
    %swap3A_265 = arith.constant 576 : index
    %swap3A_266 = tpu.vector_load %arg7[%swap3A_265] {strides = array<i32>} : memref<640xf32, #tpu.memory_space<vmem>>, vector<16xf32>,
    %swap3A_267 = vector.shape_cast %swap3A_266 : vector<16xf32> to vector<16xf32>
    %swap3A_268 = vector.shape_cast %broadcast_in_dim3A_264 : vector<16xf32> to vector<16xf32>
    tpu.vector_store %arg7[%swap3A_265], %swap3A_268 {strides = array<i32>} : memref<640xf32, #tpu.memory_space<vmem>>, vector<16xf32>,
    %broadcast_in_dim3A_269 = arith.constant 0.000000e+00 : f32
    %broadcast_in_dim3A_270 = vector.broadcast %broadcast_in_dim3A_269 : f32 to vector<16xf32>
    %swap3A_271 = arith.constant 592 : index
    %swap3A_272 = tpu.vector_load %arg7[%swap3A_271] {strides = array<i32>} : memref<640xf32, #tpu.memory_space<vmem>>, vector<16xf32>,
    %swap3A_273 = vector.shape_cast %swap3A_272 : vector<16xf32> to vector<16xf32>
    %swap3A_274 = vector.shape_cast %broadcast_in_dim3A_270 : vector<16xf32> to vector<16xf32>
    tpu.vector_store %arg7[%swap3A_271], %swap3A_274 {strides = array<i32>} : memref<640xf32, #tpu.memory_space<vmem>>, vector<16xf32>,
    %broadcast_in_dim3A_275 = arith.constant 0.000000e+00 : f32
    %broadcast_in_dim3A_276 = vector.broadcast %broadcast_in_dim3A_275 : f32 to vector<16xf32>
    %swap3A_277 = arith.constant 608 : index
    %swap3A_278 = tpu.vector_load %arg7[%swap3A_277] {strides = array<i32>} : memref<640xf32, #tpu.memory_space<vmem>>, vector<16xf32>,
    %swap3A_279 = vector.shape_cast %swap3A_278 : vector<16xf32> to vector<16xf32>
    %swap3A_280 = vector.shape_cast %broadcast_in_dim3A_276 : vector<16xf32> to vector<16xf32>
    tpu.vector_store %arg7[%swap3A_277], %swap3A_280 {strides = array<i32>} : memref<640xf32, #tpu.memory_space<vmem>>, vector<16xf32>,
    %broadcast_in_dim3A_281 = arith.constant 0.000000e+00 : f32
    %broadcast_in_dim3A_282 = vector.broadcast %broadcast_in_dim3A_281 : f32 to vector<16xf32>
    %swap3A_283 = arith.constant 624 : index
    %swap3A_284 = tpu.vector_load %arg7[%swap3A_283] {strides = array<i32>} : memref<640xf32, #tpu.memory_space<vmem>>, vector<16xf32>,
    %swap3A_285 = vector.shape_cast %swap3A_284 : vector<16xf32> to vector<16xf32>
    %swap3A_286 = vector.shape_cast %broadcast_in_dim3A_282 : vector<16xf32> to vector<16xf32>
    tpu.vector_store %arg7[%swap3A_283], %swap3A_286 {strides = array<i32>} : memref<640xf32, #tpu.memory_space<vmem>>, vector<16xf32>,
    %mul3A_287 = arith.constant 640 : i32
    %mul3A_288 = arith.muli %arg1, %mul3A_287 : i32
    "tpu.region"() ({
      %run_scoped3A = tpu.sem_alloc : memref<!tpu.dma_semaphore, #tpu.memory_space<semaphore_mem>>
      %dma_start3A = tpu.memref_slice %arg8[%mul3A_288] : memref<10240xf32, #tpu.memory_space<vmem_shared>> -> memref<640xf32, #tpu.memory_space<vmem_shared>>
      %dma_start3A_302 = tpu.memref_slice %arg8[%mul3A_288] : memref<10240xf32, #tpu.memory_space<vmem_shared>> -> memref<640xf32, #tpu.memory_space<vmem_shared>>
      tpu.enqueue_dma source(%arg7 : memref<640xf32, #tpu.memory_space<vmem>>) target(%dma_start3A_302 : memref<640xf32, #tpu.memory_space<vmem_shared>>) target_semaphore(%run_scoped3A : memref<!tpu.dma_semaphore, #tpu.memory_space<semaphore_mem>>)
      %dma_wait3A = tpu.memref_slice %arg8[%mul3A_288] : memref<10240xf32, #tpu.memory_space<vmem_shared>> -> memref<640xf32, #tpu.memory_space<vmem_shared>>
      %dma_wait3A_303 = tpu.memref_slice %arg8[%mul3A_288] : memref<10240xf32, #tpu.memory_space<vmem_shared>> -> memref<640xf32, #tpu.memory_space<vmem_shared>>
      tpu.wait_dma2 semaphore(%run_scoped3A : memref<!tpu.dma_semaphore, #tpu.memory_space<semaphore_mem>>) src(%arg7 : memref<640xf32, #tpu.memory_space<vmem>>) dst(%dma_wait3A_303 : memref<640xf32, #tpu.memory_space<vmem_shared>>)
      tpu.yield
    }) : () -> ()
    %barrier3A = arith.constant 0 : index
    tpu.barrier barrier_id(%barrier3A)
    %mul3A_289 = arith.constant 5000 : i32
    %mul3A_290 = arith.muli %add3A, %mul3A_289 : i32
    %scan3A = arith.constant 0 : i32
    %scan3A_291 = arith.constant 0 : i32
    %scan3A_292 = arith.constant 39 : i32
    %scan3A_293 = arith.addi %scan3A_291, %scan3A_292 : i32
    %scan3A_294 = arith.constant 1 : i32
    scf.for %scan3A_302 = %scan3A_291 to %scan3A_293 step %scan3A_294  : i32 {
      %mul3A_303 = arith.constant 128 : i32
      %mul3A_304 = arith.muli %scan3A_302, %mul3A_303 : i32
      %add3A_305 = arith.addi %mul3A_290, %mul3A_304 : i32
      "tpu.region"() ({
        %run_scoped3A = tpu.sem_alloc : memref<!tpu.dma_semaphore, #tpu.memory_space<semaphore_mem>>
        %dma_start3A = tpu.memref_slice %arg2[%add3A_305] : memref<160000xi32, #tpu.memory_space<hbm>> -> memref<128xi32, #tpu.memory_space<hbm>>
        %dma_start3A_306 = tpu.memref_slice %arg2[%add3A_305] : memref<160000xi32, #tpu.memory_space<hbm>> -> memref<128xi32, #tpu.memory_space<hbm>>
        tpu.enqueue_dma source(%dma_start3A_306 : memref<128xi32, #tpu.memory_space<hbm>>) target(%arg4 : memref<128xi32, #tpu.memory_space<vmem>>) target_semaphore(%run_scoped3A : memref<!tpu.dma_semaphore, #tpu.memory_space<semaphore_mem>>)
        %dma_wait3A = tpu.memref_slice %arg2[%add3A_305] : memref<160000xi32, #tpu.memory_space<hbm>> -> memref<128xi32, #tpu.memory_space<hbm>>
        %dma_wait3A_307 = tpu.memref_slice %arg2[%add3A_305] : memref<160000xi32, #tpu.memory_space<hbm>> -> memref<128xi32, #tpu.memory_space<hbm>>
        tpu.wait_dma2 semaphore(%run_scoped3A : memref<!tpu.dma_semaphore, #tpu.memory_space<semaphore_mem>>) src(%dma_wait3A_307 : memref<128xi32, #tpu.memory_space<hbm>>) dst(%arg4 : memref<128xi32, #tpu.memory_space<vmem>>)
        tpu.yield
      }) : () -> ()
      "tpu.region"() ({
        %run_scoped3A = tpu.sem_alloc : memref<!tpu.dma_semaphore, #tpu.memory_space<semaphore_mem>>
        %dma_start3A = arith.constant 0 : i32
        %dma_start3A_306 = tpu.memref_slice %arg8[%dma_start3A] : memref<10240xf32, #tpu.memory_space<vmem_shared>> -> memref<10240xf32, #tpu.memory_space<vmem_shared>>
        tpu.enqueue_indirect_dma source(%arg6 : memref<128xf32, #tpu.memory_space<vmem>>) target(%dma_start3A_306 : memref<10240xf32, #tpu.memory_space<vmem_shared>>) offsets(%arg4 : memref<128xi32, #tpu.memory_space<vmem>>) semaphore(%run_scoped3A : memref<!tpu.dma_semaphore, #tpu.memory_space<semaphore_mem>>) {add = true}
        %dma_wait3A = arith.constant 0 : i32
        %dma_wait3A_307 = tpu.memref_slice %arg8[%dma_wait3A] : memref<10240xf32, #tpu.memory_space<vmem_shared>> -> memref<10240xf32, #tpu.memory_space<vmem_shared>>
        tpu.wait_indirect_dma semaphore(%run_scoped3A : memref<!tpu.dma_semaphore, #tpu.memory_space<semaphore_mem>>) src(%arg6 : memref<128xf32, #tpu.memory_space<vmem>>) dst(%dma_wait3A_307 : memref<10240xf32, #tpu.memory_space<vmem_shared>>)
        tpu.yield
      }) : () -> ()
    }
    %scan3A_295 = arith.constant 39 : i32
    %add3A_296 = arith.constant 4992 : i32
    %add3A_297 = arith.addi %mul3A_290, %add3A_296 : i32
    "tpu.region"() ({
      %run_scoped3A = tpu.sem_alloc : memref<!tpu.dma_semaphore, #tpu.memory_space<semaphore_mem>>
      %dma_start3A = tpu.memref_slice %arg2[%add3A_297] : memref<160000xi32, #tpu.memory_space<hbm>> -> memref<8xi32, #tpu.memory_space<hbm>>
      %dma_start3A_302 = tpu.memref_slice %arg2[%add3A_297] : memref<160000xi32, #tpu.memory_space<hbm>> -> memref<8xi32, #tpu.memory_space<hbm>>
      tpu.enqueue_dma source(%dma_start3A_302 : memref<8xi32, #tpu.memory_space<hbm>>) target(%arg5 : memref<8xi32, #tpu.memory_space<vmem>>) target_semaphore(%run_scoped3A : memref<!tpu.dma_semaphore, #tpu.memory_space<semaphore_mem>>)
      %dma_wait3A = tpu.memref_slice %arg2[%add3A_297] : memref<160000xi32, #tpu.memory_space<hbm>> -> memref<8xi32, #tpu.memory_space<hbm>>
      %dma_wait3A_303 = tpu.memref_slice %arg2[%add3A_297] : memref<160000xi32, #tpu.memory_space<hbm>> -> memref<8xi32, #tpu.memory_space<hbm>>
      tpu.wait_dma2 semaphore(%run_scoped3A : memref<!tpu.dma_semaphore, #tpu.memory_space<semaphore_mem>>) src(%dma_wait3A_303 : memref<8xi32, #tpu.memory_space<hbm>>) dst(%arg5 : memref<8xi32, #tpu.memory_space<vmem>>)
      tpu.yield
    }) : () -> ()
    "tpu.region"() ({
      %run_scoped3A = tpu.sem_alloc : memref<!tpu.dma_semaphore, #tpu.memory_space<semaphore_mem>>
      %dma_start3A = arith.constant 0 : i32
      %dma_start3A_302 = tpu.memref_slice %arg6[%dma_start3A] : memref<128xf32, #tpu.memory_space<vmem>> -> memref<8xf32, #tpu.memory_space<vmem>>
      %dma_start3A_303 = arith.constant 0 : i32
      %dma_start3A_304 = tpu.memref_slice %arg8[%dma_start3A_303] : memref<10240xf32, #tpu.memory_space<vmem_shared>> -> memref<10240xf32, #tpu.memory_space<vmem_shared>>
      tpu.enqueue_indirect_dma source(%dma_start3A_302 : memref<8xf32, #tpu.memory_space<vmem>>) target(%dma_start3A_304 : memref<10240xf32, #tpu.memory_space<vmem_shared>>) offsets(%arg5 : memref<8xi32, #tpu.memory_space<vmem>>) semaphore(%run_scoped3A : memref<!tpu.dma_semaphore, #tpu.memory_space<semaphore_mem>>) {add = true}
      %dma_wait3A = arith.constant 0 : i32
      %dma_wait3A_305 = tpu.memref_slice %arg6[%dma_wait3A] : memref<128xf32, #tpu.memory_space<vmem>> -> memref<8xf32, #tpu.memory_space<vmem>>
      %dma_wait3A_306 = arith.constant 0 : i32
      %dma_wait3A_307 = tpu.memref_slice %arg8[%dma_wait3A_306] : memref<10240xf32, #tpu.memory_space<vmem_shared>> -> memref<10240xf32, #tpu.memory_space<vmem_shared>>
      tpu.wait_indirect_dma semaphore(%run_scoped3A : memref<!tpu.dma_semaphore, #tpu.memory_space<semaphore_mem>>) src(%dma_wait3A_305 : memref<8xf32, #tpu.memory_space<vmem>>) dst(%dma_wait3A_307 : memref<10240xf32, #tpu.memory_space<vmem_shared>>)
      tpu.yield
    }) : () -> ()
    %barrier3A_298 = arith.constant 0 : index
    tpu.barrier barrier_id(%barrier3A_298)
    %mul3A_299 = arith.constant 10240 : i32
    %mul3A_300 = arith.muli %arg0, %mul3A_299 : i32
    %add3A_301 = arith.addi %mul3A_300, %mul3A_288 : i32
    "tpu.region"() ({
      %run_scoped3A = tpu.sem_alloc : memref<!tpu.dma_semaphore, #tpu.memory_space<semaphore_mem>>
      %dma_start3A = tpu.memref_slice %arg3[%add3A_301] : memref<20480xf32, #tpu.memory_space<hbm>> -> memref<640xf32, #tpu.memory_space<hbm>>
      %dma_start3A_302 = tpu.memref_slice %arg8[%mul3A_288] : memref<10240xf32, #tpu.memory_space<vmem_shared>> -> memref<640xf32, #tpu.memory_space<vmem_shared>>
      tpu.enqueue_dma source(%dma_start3A_302 : memref<640xf32, #tpu.memory_space<vmem_shared>>) target(%dma_start3A : memref<640xf32, #tpu.memory_space<hbm>>) target_semaphore(%run_scoped3A : memref<!tpu.dma_semaphore, #tpu.memory_space<semaphore_mem>>)
      %dma_wait3A = tpu.memref_slice %arg3[%add3A_301] : memref<20480xf32, #tpu.memory_space<hbm>> -> memref<640xf32, #tpu.memory_space<hbm>>
      %dma_wait3A_303 = tpu.memref_slice %arg8[%mul3A_288] : memref<10240xf32, #tpu.memory_space<vmem_shared>> -> memref<640xf32, #tpu.memory_space<vmem_shared>>
      tpu.wait_dma2 semaphore(%run_scoped3A : memref<!tpu.dma_semaphore, #tpu.memory_space<semaphore_mem>>) src(%dma_wait3A_303 : memref<640xf32, #tpu.memory_space<vmem_shared>>) dst(%dma_wait3A : memref<640xf32, #tpu.memory_space<hbm>>)
      tpu.yield
    }) : () -> ()
    return
  }
}

#map = affine_map<(d0, d1) -> (0)>
#map1 = affine_map<(d0, d1) -> (0, 0, 0)>
#map2 = affine_map<(d0, d1) -> (0, 0)>
module attributes {stable_mosaic.version = 14 : i64} {
  func.func @_spmm_kernel(%arg0: i32, %arg1: i32, %arg2: memref<160000xi32, #tpu.memory_space<hbm>>, %arg3: memref<160000xi32, #tpu.memory_space<hbm>>, %arg4: memref<2x10240x128xf32, #tpu.memory_space<hbm>>, %arg5: memref<640x128xf32, #tpu.memory_space<hbm>>, %arg6: memref<10240x256xf32, #tpu.memory_space<hbm>>, %arg7: memref<128xi32, #tpu.memory_space<vmem>>, %arg8: memref<128xi32, #tpu.memory_space<vmem>>, %arg9: memref<16xi32, #tpu.memory_space<vmem>>, %arg10: memref<16xi32, #tpu.memory_space<vmem>>, %arg11: memref<128x128xf32, #tpu.memory_space<vmem>>, %arg12: memref<10240x128xf32, #tpu.memory_space<vmem_shared>>, %arg13: memref<!tpu.dma_semaphore, #tpu.memory_space<semaphore_mem>>) attributes {dimension_semantics = [#tpu.dimension_semantics<core_parallel>, #tpu.dimension_semantics<subcore_parallel>], iteration_bounds = array<i64: 2, 16>, scalar_prefetch = 0 : i64, scratch_operands = 7 : i64, tpu.core_type = #tpu.core_type<sc_vector_subcore>, window_params = [{transform_indices = #map}, {transform_indices = #map}, {transform_indices = #map1}, {transform_indices = #map2}, {transform_indices = #map2}]} {
    %mul3A = arith.constant 640 : i32
    %mul3A_0 = arith.muli %arg1, %mul3A : i32
    "tpu.region"() ({
      %run_scoped3A = tpu.sem_alloc : memref<!tpu.dma_semaphore, #tpu.memory_space<semaphore_mem>>
      %dma_start3A_30 = arith.constant 0 : i32
      %dma_start3A_31 = tpu.memref_slice %arg12[%mul3A_0, %dma_start3A_30] : memref<10240x128xf32, #tpu.memory_space<vmem_shared>> -> memref<640x128xf32, #tpu.memory_space<vmem_shared>>
      %dma_start3A_32 = arith.constant 0 : i32
      %dma_start3A_33 = arith.constant 0 : i32
      %dma_start3A_34 = tpu.memref_slice %arg5[%dma_start3A_32, %dma_start3A_33] : memref<640x128xf32, #tpu.memory_space<hbm>> -> memref<640x128xf32, #tpu.memory_space<hbm>>
      tpu.enqueue_dma source(%dma_start3A_34 : memref<640x128xf32, #tpu.memory_space<hbm>>) target(%dma_start3A_31 : memref<640x128xf32, #tpu.memory_space<vmem_shared>>) target_semaphore(%run_scoped3A : memref<!tpu.dma_semaphore, #tpu.memory_space<semaphore_mem>>)
      %dma_wait3A_35 = arith.constant 0 : i32
      %dma_wait3A_36 = tpu.memref_slice %arg12[%mul3A_0, %dma_wait3A_35] : memref<10240x128xf32, #tpu.memory_space<vmem_shared>> -> memref<640x128xf32, #tpu.memory_space<vmem_shared>>
      %dma_wait3A_37 = arith.constant 0 : i32
      %dma_wait3A_38 = arith.constant 0 : i32
      %dma_wait3A_39 = tpu.memref_slice %arg5[%dma_wait3A_37, %dma_wait3A_38] : memref<640x128xf32, #tpu.memory_space<hbm>> -> memref<640x128xf32, #tpu.memory_space<hbm>>
      tpu.wait_dma2 semaphore(%run_scoped3A : memref<!tpu.dma_semaphore, #tpu.memory_space<semaphore_mem>>) src(%dma_wait3A_39 : memref<640x128xf32, #tpu.memory_space<hbm>>) dst(%dma_wait3A_36 : memref<640x128xf32, #tpu.memory_space<vmem_shared>>)
      tpu.yield
    }) : () -> ()
    %barrier3A = arith.constant 0 : index
    tpu.barrier barrier_id(%barrier3A)
    %mul3A_1 = arith.constant 10000 : i32
    %mul3A_2 = arith.muli %arg1, %mul3A_1 : i32
    %scan3A = arith.constant 0 : i32
    %scan3A_3 = arith.constant 0 : i32
    %scan3A_4 = arith.constant 78 : i32
    %scan3A_5 = arith.addi %scan3A_3, %scan3A_4 : i32
    %scan3A_6 = arith.constant 1 : i32
    scf.for %scan3A_30 = %scan3A_3 to %scan3A_5 step %scan3A_6  : i32 {
      %mul3A_31 = arith.constant 128 : i32
      %mul3A_32 = arith.muli %scan3A_30, %mul3A_31 : i32
      %add3A_33 = arith.addi %mul3A_2, %mul3A_32 : i32
      "tpu.region"() ({
        %run_scoped3A = tpu.sem_alloc : memref<!tpu.dma_semaphore, #tpu.memory_space<semaphore_mem>>
        %dma_start3A_48 = tpu.memref_slice %arg2[%add3A_33] : memref<160000xi32, #tpu.memory_space<hbm>> -> memref<128xi32, #tpu.memory_space<hbm>>
        %dma_start3A_49 = tpu.memref_slice %arg2[%add3A_33] : memref<160000xi32, #tpu.memory_space<hbm>> -> memref<128xi32, #tpu.memory_space<hbm>>
        tpu.enqueue_dma source(%dma_start3A_49 : memref<128xi32, #tpu.memory_space<hbm>>) target(%arg7 : memref<128xi32, #tpu.memory_space<vmem>>) target_semaphore(%run_scoped3A : memref<!tpu.dma_semaphore, #tpu.memory_space<semaphore_mem>>)
        %dma_wait3A_50 = tpu.memref_slice %arg2[%add3A_33] : memref<160000xi32, #tpu.memory_space<hbm>> -> memref<128xi32, #tpu.memory_space<hbm>>
        %dma_wait3A_51 = tpu.memref_slice %arg2[%add3A_33] : memref<160000xi32, #tpu.memory_space<hbm>> -> memref<128xi32, #tpu.memory_space<hbm>>
        tpu.wait_dma2 semaphore(%run_scoped3A : memref<!tpu.dma_semaphore, #tpu.memory_space<semaphore_mem>>) src(%dma_wait3A_51 : memref<128xi32, #tpu.memory_space<hbm>>) dst(%arg7 : memref<128xi32, #tpu.memory_space<vmem>>)
        tpu.yield
      }) : () -> ()
      "tpu.region"() ({
        %run_scoped3A = tpu.sem_alloc : memref<!tpu.dma_semaphore, #tpu.memory_space<semaphore_mem>>
        %dma_start3A_48 = tpu.memref_slice %arg3[%add3A_33] : memref<160000xi32, #tpu.memory_space<hbm>> -> memref<128xi32, #tpu.memory_space<hbm>>
        %dma_start3A_49 = tpu.memref_slice %arg3[%add3A_33] : memref<160000xi32, #tpu.memory_space<hbm>> -> memref<128xi32, #tpu.memory_space<hbm>>
        tpu.enqueue_dma source(%dma_start3A_49 : memref<128xi32, #tpu.memory_space<hbm>>) target(%arg8 : memref<128xi32, #tpu.memory_space<vmem>>) target_semaphore(%run_scoped3A : memref<!tpu.dma_semaphore, #tpu.memory_space<semaphore_mem>>)
        %dma_wait3A_50 = tpu.memref_slice %arg3[%add3A_33] : memref<160000xi32, #tpu.memory_space<hbm>> -> memref<128xi32, #tpu.memory_space<hbm>>
        %dma_wait3A_51 = tpu.memref_slice %arg3[%add3A_33] : memref<160000xi32, #tpu.memory_space<hbm>> -> memref<128xi32, #tpu.memory_space<hbm>>
        tpu.wait_dma2 semaphore(%run_scoped3A : memref<!tpu.dma_semaphore, #tpu.memory_space<semaphore_mem>>) src(%dma_wait3A_51 : memref<128xi32, #tpu.memory_space<hbm>>) dst(%arg8 : memref<128xi32, #tpu.memory_space<vmem>>)
        tpu.yield
      }) : () -> ()
      %dma_start3A_34 = arith.constant 0 : i32
      %dma_start3A_35 = arith.constant 0 : i32
      %dma_start3A_36 = tpu.memref_slice %arg4[%arg0, %dma_start3A_34, %dma_start3A_35] : memref<2x10240x128xf32, #tpu.memory_space<hbm>> -> memref<1x10240x128xf32, #tpu.memory_space<hbm>>
      %dma_start3A_37 = tpu.memref_squeeze %dma_start3A_36 : memref<1x10240x128xf32, #tpu.memory_space<hbm>> -> memref<10240x128xf32, #tpu.memory_space<hbm>>
      %dma_start3A_38 = arith.constant 0 : i32
      %dma_start3A_39 = arith.constant 0 : i32
      %dma_start3A_40 = tpu.memref_slice %dma_start3A_37[%dma_start3A_38, %dma_start3A_39] : memref<10240x128xf32, #tpu.memory_space<hbm>> -> memref<10240x128xf32, #tpu.memory_space<hbm>>
      tpu.enqueue_indirect_dma source(%dma_start3A_40 : memref<10240x128xf32, #tpu.memory_space<hbm>>) target(%arg11 : memref<128x128xf32, #tpu.memory_space<vmem>>) offsets(%arg7 : memref<128xi32, #tpu.memory_space<vmem>>) semaphore(%arg13 : memref<!tpu.dma_semaphore, #tpu.memory_space<semaphore_mem>>)
      %dma_wait3A_41 = arith.constant 0 : i32
      %dma_wait3A_42 = arith.constant 0 : i32
      %dma_wait3A_43 = tpu.memref_slice %arg4[%arg0, %dma_wait3A_41, %dma_wait3A_42] : memref<2x10240x128xf32, #tpu.memory_space<hbm>> -> memref<1x10240x128xf32, #tpu.memory_space<hbm>>
      %dma_wait3A_44 = tpu.memref_squeeze %dma_wait3A_43 : memref<1x10240x128xf32, #tpu.memory_space<hbm>> -> memref<10240x128xf32, #tpu.memory_space<hbm>>
      %dma_wait3A_45 = arith.constant 0 : i32
      %dma_wait3A_46 = arith.constant 0 : i32
      %dma_wait3A_47 = tpu.memref_slice %dma_wait3A_44[%dma_wait3A_45, %dma_wait3A_46] : memref<10240x128xf32, #tpu.memory_space<hbm>> -> memref<10240x128xf32, #tpu.memory_space<hbm>>
      tpu.wait_indirect_dma semaphore(%arg13 : memref<!tpu.dma_semaphore, #tpu.memory_space<semaphore_mem>>) src(%dma_wait3A_47 : memref<10240x128xf32, #tpu.memory_space<hbm>>) dst(%arg11 : memref<128x128xf32, #tpu.memory_space<vmem>>)
      "tpu.region"() ({
        %run_scoped3A = tpu.sem_alloc : memref<!tpu.dma_semaphore, #tpu.memory_space<semaphore_mem>>
        %dma_start3A_48 = arith.constant 0 : i32
        %dma_start3A_49 = arith.constant 0 : i32
        %dma_start3A_50 = tpu.memref_slice %arg12[%dma_start3A_48, %dma_start3A_49] : memref<10240x128xf32, #tpu.memory_space<vmem_shared>> -> memref<10240x128xf32, #tpu.memory_space<vmem_shared>>
        tpu.enqueue_indirect_dma source(%arg11 : memref<128x128xf32, #tpu.memory_space<vmem>>) target(%dma_start3A_50 : memref<10240x128xf32, #tpu.memory_space<vmem_shared>>) offsets(%arg8 : memref<128xi32, #tpu.memory_space<vmem>>) semaphore(%run_scoped3A : memref<!tpu.dma_semaphore, #tpu.memory_space<semaphore_mem>>) {add = true}
        %dma_wait3A_51 = arith.constant 0 : i32
        %dma_wait3A_52 = arith.constant 0 : i32
        %dma_wait3A_53 = tpu.memref_slice %arg12[%dma_wait3A_51, %dma_wait3A_52] : memref<10240x128xf32, #tpu.memory_space<vmem_shared>> -> memref<10240x128xf32, #tpu.memory_space<vmem_shared>>
        tpu.wait_indirect_dma semaphore(%run_scoped3A : memref<!tpu.dma_semaphore, #tpu.memory_space<semaphore_mem>>) src(%arg11 : memref<128x128xf32, #tpu.memory_space<vmem>>) dst(%dma_wait3A_53 : memref<10240x128xf32, #tpu.memory_space<vmem_shared>>)
        tpu.yield
      }) : () -> ()
    }
    %scan3A_7 = arith.constant 78 : i32
    %add3A = arith.constant 9984 : i32
    %add3A_8 = arith.addi %mul3A_2, %add3A : i32
    "tpu.region"() ({
      %run_scoped3A = tpu.sem_alloc : memref<!tpu.dma_semaphore, #tpu.memory_space<semaphore_mem>>
      %dma_start3A_30 = tpu.memref_slice %arg2[%add3A_8] : memref<160000xi32, #tpu.memory_space<hbm>> -> memref<16xi32, #tpu.memory_space<hbm>>
      %dma_start3A_31 = tpu.memref_slice %arg2[%add3A_8] : memref<160000xi32, #tpu.memory_space<hbm>> -> memref<16xi32, #tpu.memory_space<hbm>>
      tpu.enqueue_dma source(%dma_start3A_31 : memref<16xi32, #tpu.memory_space<hbm>>) target(%arg9 : memref<16xi32, #tpu.memory_space<vmem>>) target_semaphore(%run_scoped3A : memref<!tpu.dma_semaphore, #tpu.memory_space<semaphore_mem>>)
      %dma_wait3A_32 = tpu.memref_slice %arg2[%add3A_8] : memref<160000xi32, #tpu.memory_space<hbm>> -> memref<16xi32, #tpu.memory_space<hbm>>
      %dma_wait3A_33 = tpu.memref_slice %arg2[%add3A_8] : memref<160000xi32, #tpu.memory_space<hbm>> -> memref<16xi32, #tpu.memory_space<hbm>>
      tpu.wait_dma2 semaphore(%run_scoped3A : memref<!tpu.dma_semaphore, #tpu.memory_space<semaphore_mem>>) src(%dma_wait3A_33 : memref<16xi32, #tpu.memory_space<hbm>>) dst(%arg9 : memref<16xi32, #tpu.memory_space<vmem>>)
      tpu.yield
    }) : () -> ()
    "tpu.region"() ({
      %run_scoped3A = tpu.sem_alloc : memref<!tpu.dma_semaphore, #tpu.memory_space<semaphore_mem>>
      %dma_start3A_30 = tpu.memref_slice %arg3[%add3A_8] : memref<160000xi32, #tpu.memory_space<hbm>> -> memref<16xi32, #tpu.memory_space<hbm>>
      %dma_start3A_31 = tpu.memref_slice %arg3[%add3A_8] : memref<160000xi32, #tpu.memory_space<hbm>> -> memref<16xi32, #tpu.memory_space<hbm>>
      tpu.enqueue_dma source(%dma_start3A_31 : memref<16xi32, #tpu.memory_space<hbm>>) target(%arg10 : memref<16xi32, #tpu.memory_space<vmem>>) target_semaphore(%run_scoped3A : memref<!tpu.dma_semaphore, #tpu.memory_space<semaphore_mem>>)
      %dma_wait3A_32 = tpu.memref_slice %arg3[%add3A_8] : memref<160000xi32, #tpu.memory_space<hbm>> -> memref<16xi32, #tpu.memory_space<hbm>>
      %dma_wait3A_33 = tpu.memref_slice %arg3[%add3A_8] : memref<160000xi32, #tpu.memory_space<hbm>> -> memref<16xi32, #tpu.memory_space<hbm>>
      tpu.wait_dma2 semaphore(%run_scoped3A : memref<!tpu.dma_semaphore, #tpu.memory_space<semaphore_mem>>) src(%dma_wait3A_33 : memref<16xi32, #tpu.memory_space<hbm>>) dst(%arg10 : memref<16xi32, #tpu.memory_space<vmem>>)
      tpu.yield
    }) : () -> ()
    %dma_start3A = arith.constant 0 : i32
    %dma_start3A_9 = arith.constant 0 : i32
    %dma_start3A_10 = tpu.memref_slice %arg11[%dma_start3A, %dma_start3A_9] : memref<128x128xf32, #tpu.memory_space<vmem>> -> memref<16x128xf32, #tpu.memory_space<vmem>>
    %dma_start3A_11 = arith.constant 0 : i32
    %dma_start3A_12 = arith.constant 0 : i32
    %dma_start3A_13 = tpu.memref_slice %arg4[%arg0, %dma_start3A_11, %dma_start3A_12] : memref<2x10240x128xf32, #tpu.memory_space<hbm>> -> memref<1x10240x128xf32, #tpu.memory_space<hbm>>
    %dma_start3A_14 = tpu.memref_squeeze %dma_start3A_13 : memref<1x10240x128xf32, #tpu.memory_space<hbm>> -> memref<10240x128xf32, #tpu.memory_space<hbm>>
    %dma_start3A_15 = arith.constant 0 : i32
    %dma_start3A_16 = arith.constant 0 : i32
    %dma_start3A_17 = tpu.memref_slice %dma_start3A_14[%dma_start3A_15, %dma_start3A_16] : memref<10240x128xf32, #tpu.memory_space<hbm>> -> memref<10240x128xf32, #tpu.memory_space<hbm>>
    tpu.enqueue_indirect_dma source(%dma_start3A_17 : memref<10240x128xf32, #tpu.memory_space<hbm>>) target(%dma_start3A_10 : memref<16x128xf32, #tpu.memory_space<vmem>>) offsets(%arg9 : memref<16xi32, #tpu.memory_space<vmem>>) semaphore(%arg13 : memref<!tpu.dma_semaphore, #tpu.memory_space<semaphore_mem>>)
    %dma_wait3A = arith.constant 0 : i32
    %dma_wait3A_18 = arith.constant 0 : i32
    %dma_wait3A_19 = tpu.memref_slice %arg11[%dma_wait3A, %dma_wait3A_18] : memref<128x128xf32, #tpu.memory_space<vmem>> -> memref<16x128xf32, #tpu.memory_space<vmem>>
    %dma_wait3A_20 = arith.constant 0 : i32
    %dma_wait3A_21 = arith.constant 0 : i32
    %dma_wait3A_22 = tpu.memref_slice %arg4[%arg0, %dma_wait3A_20, %dma_wait3A_21] : memref<2x10240x128xf32, #tpu.memory_space<hbm>> -> memref<1x10240x128xf32, #tpu.memory_space<hbm>>
    %dma_wait3A_23 = tpu.memref_squeeze %dma_wait3A_22 : memref<1x10240x128xf32, #tpu.memory_space<hbm>> -> memref<10240x128xf32, #tpu.memory_space<hbm>>
    %dma_wait3A_24 = arith.constant 0 : i32
    %dma_wait3A_25 = arith.constant 0 : i32
    %dma_wait3A_26 = tpu.memref_slice %dma_wait3A_23[%dma_wait3A_24, %dma_wait3A_25] : memref<10240x128xf32, #tpu.memory_space<hbm>> -> memref<10240x128xf32, #tpu.memory_space<hbm>>
    tpu.wait_indirect_dma semaphore(%arg13 : memref<!tpu.dma_semaphore, #tpu.memory_space<semaphore_mem>>) src(%dma_wait3A_26 : memref<10240x128xf32, #tpu.memory_space<hbm>>) dst(%dma_wait3A_19 : memref<16x128xf32, #tpu.memory_space<vmem>>)
    "tpu.region"() ({
      %run_scoped3A = tpu.sem_alloc : memref<!tpu.dma_semaphore, #tpu.memory_space<semaphore_mem>>
      %dma_start3A_30 = arith.constant 0 : i32
      %dma_start3A_31 = arith.constant 0 : i32
      %dma_start3A_32 = tpu.memref_slice %arg11[%dma_start3A_30, %dma_start3A_31] : memref<128x128xf32, #tpu.memory_space<vmem>> -> memref<16x128xf32, #tpu.memory_space<vmem>>
      %dma_start3A_33 = arith.constant 0 : i32
      %dma_start3A_34 = arith.constant 0 : i32
      %dma_start3A_35 = tpu.memref_slice %arg12[%dma_start3A_33, %dma_start3A_34] : memref<10240x128xf32, #tpu.memory_space<vmem_shared>> -> memref<10240x128xf32, #tpu.memory_space<vmem_shared>>
      tpu.enqueue_indirect_dma source(%dma_start3A_32 : memref<16x128xf32, #tpu.memory_space<vmem>>) target(%dma_start3A_35 : memref<10240x128xf32, #tpu.memory_space<vmem_shared>>) offsets(%arg10 : memref<16xi32, #tpu.memory_space<vmem>>) semaphore(%run_scoped3A : memref<!tpu.dma_semaphore, #tpu.memory_space<semaphore_mem>>) {add = true}
      %dma_wait3A_36 = arith.constant 0 : i32
      %dma_wait3A_37 = arith.constant 0 : i32
      %dma_wait3A_38 = tpu.memref_slice %arg11[%dma_wait3A_36, %dma_wait3A_37] : memref<128x128xf32, #tpu.memory_space<vmem>> -> memref<16x128xf32, #tpu.memory_space<vmem>>
      %dma_wait3A_39 = arith.constant 0 : i32
      %dma_wait3A_40 = arith.constant 0 : i32
      %dma_wait3A_41 = tpu.memref_slice %arg12[%dma_wait3A_39, %dma_wait3A_40] : memref<10240x128xf32, #tpu.memory_space<vmem_shared>> -> memref<10240x128xf32, #tpu.memory_space<vmem_shared>>
      tpu.wait_indirect_dma semaphore(%run_scoped3A : memref<!tpu.dma_semaphore, #tpu.memory_space<semaphore_mem>>) src(%dma_wait3A_38 : memref<16x128xf32, #tpu.memory_space<vmem>>) dst(%dma_wait3A_41 : memref<10240x128xf32, #tpu.memory_space<vmem_shared>>)
      tpu.yield
    }) : () -> ()
    %barrier3A_27 = arith.constant 0 : index
    tpu.barrier barrier_id(%barrier3A_27)
    %mul3A_28 = arith.constant 128 : i32
    %mul3A_29 = arith.muli %arg0, %mul3A_28 : i32
    "tpu.region"() ({
      %run_scoped3A = tpu.sem_alloc : memref<!tpu.dma_semaphore, #tpu.memory_space<semaphore_mem>>
      %dma_start3A_30 = tpu.memref_slice %arg6[%mul3A_0, %mul3A_29] : memref<10240x256xf32, #tpu.memory_space<hbm>> -> memref<640x128xf32, #tpu.memory_space<hbm>>
      %dma_start3A_31 = arith.constant 0 : i32
      %dma_start3A_32 = tpu.memref_slice %arg12[%mul3A_0, %dma_start3A_31] : memref<10240x128xf32, #tpu.memory_space<vmem_shared>> -> memref<640x128xf32, #tpu.memory_space<vmem_shared>>
      tpu.enqueue_dma source(%dma_start3A_32 : memref<640x128xf32, #tpu.memory_space<vmem_shared>>) target(%dma_start3A_30 : memref<640x128xf32, #tpu.memory_space<hbm>>) target_semaphore(%run_scoped3A : memref<!tpu.dma_semaphore, #tpu.memory_space<semaphore_mem>>)
      %dma_wait3A_33 = tpu.memref_slice %arg6[%mul3A_0, %mul3A_29] : memref<10240x256xf32, #tpu.memory_space<hbm>> -> memref<640x128xf32, #tpu.memory_space<hbm>>
      %dma_wait3A_34 = arith.constant 0 : i32
      %dma_wait3A_35 = tpu.memref_slice %arg12[%mul3A_0, %dma_wait3A_34] : memref<10240x128xf32, #tpu.memory_space<vmem_shared>> -> memref<640x128xf32, #tpu.memory_space<vmem_shared>>
      tpu.wait_dma2 semaphore(%run_scoped3A : memref<!tpu.dma_semaphore, #tpu.memory_space<semaphore_mem>>) src(%dma_wait3A_35 : memref<640x128xf32, #tpu.memory_space<vmem_shared>>) dst(%dma_wait3A_33 : memref<640x128xf32, #tpu.memory_space<hbm>>)
      tpu.yield
    }) : () -> ()
    return
  }
}

module attributes {stable_mosaic.version = 14 : i64} {
  func.func @_prep_body(%arg0: memref<20480xf32, #tpu.memory_space<vmem>>, %arg1: memref<10240xf32, #tpu.memory_space<vmem>>) attributes {dimension_semantics = [], scalar_prefetch = 0 : i64, scratch_operands = 0 : i64, tpu.core_type = #tpu.core_type<tc>} {
    %get3A = arith.constant 0 : index
    %get3A_0 = vector.load %arg0[%get3A] : memref<20480xf32, #tpu.memory_space<vmem>>, vector<10240xf32>
    %get3A_1 = arith.constant 10240 : index
    %get3A_2 = vector.load %arg0[%get3A_1] : memref<20480xf32, #tpu.memory_space<vmem>>, vector<10240xf32>
    %add3A = arith.addf %get3A_0, %get3A_2 : vector<10240xf32>
    %add3A_3 = arith.constant 1.000000e+00 : f32
    %add3A_4 = vector.broadcast %add3A_3 : f32 to vector<10240xf32>
    %add3A_5 = arith.addf %add3A, %add3A_4 : vector<10240xf32>
    %max3A = arith.constant 9.99999996E-13 : f32
    %max3A_6 = vector.broadcast %max3A : f32 to vector<10240xf32>
    %max3A_7 = arith.maximumf %add3A_5, %max3A_6 : vector<10240xf32>
    %rsqrt3A = math.rsqrt %max3A_7 : vector<10240xf32>
    %swap3A = arith.constant 0 : index
    %swap3A_8 = vector.load %arg1[%swap3A] : memref<10240xf32, #tpu.memory_space<vmem>>, vector<10240xf32>
    tpu.vector_store %arg1[%swap3A], %rsqrt3A {strides = array<i32>} : memref<10240xf32, #tpu.memory_space<vmem>>, vector<10240xf32>,
    return
  }
}

module attributes {stable_mosaic.version = 14 : i64} {
  func.func @_pre1_body(%arg0: i32, %arg1: memref<1024x3xf32, #tpu.memory_space<vmem>>, %arg2: memref<1024x1xf32, #tpu.memory_space<vmem>>, %arg3: memref<3x256xf32, #tpu.memory_space<vmem>>, %arg4: memref<1x256xf32, #tpu.memory_space<vmem>>, %arg5: memref<256x256xf32, #tpu.memory_space<vmem>>, %arg6: memref<2x1024x128xf32, #tpu.memory_space<vmem>>) attributes {dimension_semantics = [#tpu.dimension_semantics<arbitrary>], iteration_bounds = array<i64: 10>, scalar_prefetch = 0 : i64, scratch_operands = 0 : i64, tpu.core_type = #tpu.core_type<tc>, window_params = [{transform_indices = @transform_0, window_bounds = array<i64: 1024, 3>}, {transform_indices = @transform_1, window_bounds = array<i64: 1024, 1>}, {pipeline_mode = #tpu.pipeline_mode<synchronous>, transform_indices = @transform_2, window_bounds = array<i64: 3, 256>}, {pipeline_mode = #tpu.pipeline_mode<synchronous>, transform_indices = @transform_3, window_bounds = array<i64: 1, 256>}, {pipeline_mode = #tpu.pipeline_mode<synchronous>, transform_indices = @transform_4, window_bounds = array<i64: 256, 256>}, {transform_indices = @transform_5, window_bounds = array<i64: 2, 1024, 128>}]} {
    %get3A = arith.constant 0 : index
    %get3A_0 = arith.constant 0 : index
    %get3A_1 = vector.load %arg1[%get3A, %get3A_0] : memref<1024x3xf32, #tpu.memory_space<vmem>>, vector<1024x3xf32>
    %get3A_2 = arith.constant 0 : index
    %get3A_3 = arith.constant 0 : index
    %get3A_4 = vector.load %arg3[%get3A_2, %get3A_3] : memref<3x256xf32, #tpu.memory_space<vmem>>, vector<3x256xf32>
    %dot_general3A = arith.constant dense<0.000000e+00> : vector<1024x256xf32>
    %dot_general3A_5 = tpu.matmul %get3A_1, %get3A_4, %dot_general3A {dimension_numbers = #tpu.dot_dimension_numbers<[1], [0], [0], [1], [0, 0, 1, 1], [], []>, precision = #tpu.contract_precision<fp32>, transpose_lhs_hint = false} : vector<1024x3xf32>, vector<3x256xf32>, vector<1024x256xf32> -> vector<1024x256xf32>
    %get3A_6 = arith.constant 0 : index
    %get3A_7 = arith.constant 0 : index
    %get3A_8 = vector.load %arg4[%get3A_6, %get3A_7] : memref<1x256xf32, #tpu.memory_space<vmem>>, vector<1x256xf32>
    %add3A = vector.broadcast %get3A_8 : vector<1x256xf32> to vector<1024x256xf32>
    %add3A_9 = arith.addf %dot_general3A_5, %add3A : vector<1024x256xf32>
    %get3A_10 = arith.constant 0 : index
    %get3A_11 = arith.constant 0 : index
    %get3A_12 = vector.load %arg5[%get3A_10, %get3A_11] : memref<256x256xf32, #tpu.memory_space<vmem>>, vector<256x256xf32>
    %dot_general3A_13 = arith.constant dense<0.000000e+00> : vector<1024x256xf32>
    %dot_general3A_14 = tpu.matmul %add3A_9, %get3A_12, %dot_general3A_13 {dimension_numbers = #tpu.dot_dimension_numbers<[1], [0], [0], [1], [0, 0, 1, 1], [], []>, precision = #tpu.contract_precision<fp32>, transpose_lhs_hint = false} : vector<1024x256xf32>, vector<256x256xf32>, vector<1024x256xf32> -> vector<1024x256xf32>
    %get3A_15 = arith.constant 0 : index
    %get3A_16 = arith.constant 0 : index
    %get3A_17 = vector.load %arg2[%get3A_15, %get3A_16] : memref<1024x1xf32, #tpu.memory_space<vmem>>, vector<1024x1xf32>
    %mul3A = vector.broadcast %get3A_17 : vector<1024x1xf32> to vector<1024x256xf32>
    %mul3A_18 = arith.mulf %mul3A, %dot_general3A_14 : vector<1024x256xf32>
    %slice3A = vector.extract_strided_slice %mul3A_18 {offsets = [0, 0], sizes = [1024, 128], strides = [1, 1]} : vector<1024x256xf32> to vector<1024x128xf32>
    %swap3A = arith.constant 0 : index
    %swap3A_19 = arith.constant 0 : index
    %swap3A_20 = arith.constant 0 : index
    %swap3A_21 = vector.load %arg6[%swap3A, %swap3A_19, %swap3A_20] : memref<2x1024x128xf32, #tpu.memory_space<vmem>>, vector<1x1024x128xf32>
    %swap3A_22 = vector.shape_cast %swap3A_21 : vector<1x1024x128xf32> to vector<1024x128xf32>
    %swap3A_23 = vector.shape_cast %slice3A : vector<1024x128xf32> to vector<1x1024x128xf32>
    tpu.vector_store %arg6[%swap3A, %swap3A_19, %swap3A_20], %swap3A_23 {strides = array<i32>} : memref<2x1024x128xf32, #tpu.memory_space<vmem>>, vector<1x1024x128xf32>,
    %slice3A_24 = vector.extract_strided_slice %mul3A_18 {offsets = [0, 128], sizes = [1024, 128], strides = [1, 1]} : vector<1024x256xf32> to vector<1024x128xf32>
    %swap3A_25 = arith.constant 1 : index
    %swap3A_26 = arith.constant 0 : index
    %swap3A_27 = arith.constant 0 : index
    %swap3A_28 = vector.load %arg6[%swap3A_25, %swap3A_26, %swap3A_27] : memref<2x1024x128xf32, #tpu.memory_space<vmem>>, vector<1x1024x128xf32>
    %swap3A_29 = vector.shape_cast %swap3A_28 : vector<1x1024x128xf32> to vector<1024x128xf32>
    %swap3A_30 = vector.shape_cast %slice3A_24 : vector<1024x128xf32> to vector<1x1024x128xf32>
    tpu.vector_store %arg6[%swap3A_25, %swap3A_26, %swap3A_27], %swap3A_30 {strides = array<i32>} : memref<2x1024x128xf32, #tpu.memory_space<vmem>>, vector<1x1024x128xf32>,
    return
  }
  func.func @transform_0(%arg0: i32) -> (i32, i32) {
    %c0_i32 = arith.constant 0 : i32
    %c0_i32_0 = arith.constant 0 : i32
    return %arg0, %c0_i32 : i32, i32
  }
  func.func @transform_1(%arg0: i32) -> (i32, i32) {
    %c0_i32 = arith.constant 0 : i32
    %c0_i32_0 = arith.constant 0 : i32
    return %arg0, %c0_i32 : i32, i32
  }
  func.func @transform_2(%arg0: i32) -> (i32, i32) {
    %c0_i32 = arith.constant 0 : i32
    %c0_i32_0 = arith.constant 0 : i32
    %c0_i32_1 = arith.constant 0 : i32
    return %c0_i32, %c0_i32_0 : i32, i32
  }
  func.func @transform_3(%arg0: i32) -> (i32, i32) {
    %c0_i32 = arith.constant 0 : i32
    %c0_i32_0 = arith.constant 0 : i32
    %c0_i32_1 = arith.constant 0 : i32
    return %c0_i32, %c0_i32_0 : i32, i32
  }
  func.func @transform_4(%arg0: i32) -> (i32, i32) {
    %c0_i32 = arith.constant 0 : i32
    %c0_i32_0 = arith.constant 0 : i32
    %c0_i32_1 = arith.constant 0 : i32
    return %c0_i32, %c0_i32_0 : i32, i32
  }
  func.func @transform_5(%arg0: i32) -> (i32, i32, i32) {
    %c0_i32 = arith.constant 0 : i32
    %c0_i32_0 = arith.constant 0 : i32
    %c0_i32_1 = arith.constant 0 : i32
    return %c0_i32, %arg0, %c0_i32_0 : i32, i32, i32
  }
}

module attributes {stable_mosaic.version = 14 : i64} {
  func.func @_mid_body(%arg0: i32, %arg1: memref<1024x256xf32, #tpu.memory_space<vmem>>, %arg2: memref<2x1024x128xf32, #tpu.memory_space<vmem>>, %arg3: memref<1024x1xf32, #tpu.memory_space<vmem>>, %arg4: memref<1x256xf32, #tpu.memory_space<vmem>>, %arg5: memref<256x256xf32, #tpu.memory_space<vmem>>, %arg6: memref<2x1024x128xf32, #tpu.memory_space<vmem>>) attributes {dimension_semantics = [#tpu.dimension_semantics<arbitrary>], iteration_bounds = array<i64: 10>, scalar_prefetch = 0 : i64, scratch_operands = 0 : i64, tpu.core_type = #tpu.core_type<tc>, window_params = [{transform_indices = @transform_0, window_bounds = array<i64: 1024, 256>}, {transform_indices = @transform_1, window_bounds = array<i64: 2, 1024, 128>}, {transform_indices = @transform_2, window_bounds = array<i64: 1024, 1>}, {pipeline_mode = #tpu.pipeline_mode<synchronous>, transform_indices = @transform_3, window_bounds = array<i64: 1, 256>}, {pipeline_mode = #tpu.pipeline_mode<synchronous>, transform_indices = @transform_4, window_bounds = array<i64: 256, 256>}, {transform_indices = @transform_5, window_bounds = array<i64: 2, 1024, 128>}]} {
    %get3A = arith.constant 0 : index
    %get3A_0 = arith.constant 0 : index
    %get3A_1 = arith.constant 0 : index
    %get3A_2 = vector.load %arg2[%get3A, %get3A_0, %get3A_1] : memref<2x1024x128xf32, #tpu.memory_space<vmem>>, vector<1x1024x128xf32>
    %get3A_3 = vector.shape_cast %get3A_2 : vector<1x1024x128xf32> to vector<1024x128xf32>
    %get3A_4 = arith.constant 1 : index
    %get3A_5 = arith.constant 0 : index
    %get3A_6 = arith.constant 0 : index
    %get3A_7 = vector.load %arg2[%get3A_4, %get3A_5, %get3A_6] : memref<2x1024x128xf32, #tpu.memory_space<vmem>>, vector<1x1024x128xf32>
    %get3A_8 = vector.shape_cast %get3A_7 : vector<1x1024x128xf32> to vector<1024x128xf32>
    %concatenate3A = tpu.concatenate %get3A_3, %get3A_8 in 1 : vector<1024x128xf32>, vector<1024x128xf32> -> vector<1024x256xf32>
    %get3A_9 = arith.constant 0 : index
    %get3A_10 = arith.constant 0 : index
    %get3A_11 = vector.load %arg3[%get3A_9, %get3A_10] : memref<1024x1xf32, #tpu.memory_space<vmem>>, vector<1024x1xf32>
    %get3A_12 = arith.constant 0 : index
    %get3A_13 = arith.constant 0 : index
    %get3A_14 = vector.load %arg1[%get3A_12, %get3A_13] : memref<1024x256xf32, #tpu.memory_space<vmem>>, vector<1024x256xf32>
    %add3A = arith.addf %get3A_14, %concatenate3A : vector<1024x256xf32>
    %mul3A = vector.broadcast %get3A_11 : vector<1024x1xf32> to vector<1024x256xf32>
    %mul3A_15 = arith.mulf %mul3A, %add3A : vector<1024x256xf32>
    %get3A_16 = arith.constant 0 : index
    %get3A_17 = arith.constant 0 : index
    %get3A_18 = vector.load %arg4[%get3A_16, %get3A_17] : memref<1x256xf32, #tpu.memory_space<vmem>>, vector<1x256xf32>
    %add3A_19 = vector.broadcast %get3A_18 : vector<1x256xf32> to vector<1024x256xf32>
    %add3A_20 = arith.addf %mul3A_15, %add3A_19 : vector<1024x256xf32>
    %max3A = arith.constant 0.000000e+00 : f32
    %max3A_21 = vector.broadcast %max3A : f32 to vector<1024x256xf32>
    %max3A_22 = arith.maximumf %add3A_20, %max3A_21 : vector<1024x256xf32>
    %get3A_23 = arith.constant 0 : index
    %get3A_24 = arith.constant 0 : index
    %get3A_25 = vector.load %arg5[%get3A_23, %get3A_24] : memref<256x256xf32, #tpu.memory_space<vmem>>, vector<256x256xf32>
    %dot_general3A = arith.constant dense<0.000000e+00> : vector<1024x256xf32>
    %dot_general3A_26 = tpu.matmul %max3A_22, %get3A_25, %dot_general3A {dimension_numbers = #tpu.dot_dimension_numbers<[1], [0], [0], [1], [0, 0, 1, 1], [], []>, precision = #tpu.contract_precision<fp32>, transpose_lhs_hint = false} : vector<1024x256xf32>, vector<256x256xf32>, vector<1024x256xf32> -> vector<1024x256xf32>
    %get3A_27 = arith.constant 0 : index
    %get3A_28 = arith.constant 0 : index
    %get3A_29 = vector.load %arg3[%get3A_27, %get3A_28] : memref<1024x1xf32, #tpu.memory_space<vmem>>, vector<1024x1xf32>
    %mul3A_30 = vector.broadcast %get3A_29 : vector<1024x1xf32> to vector<1024x256xf32>
    %mul3A_31 = arith.mulf %mul3A_30, %dot_general3A_26 : vector<1024x256xf32>
    %slice3A = vector.extract_strided_slice %mul3A_31 {offsets = [0, 0], sizes = [1024, 128], strides = [1, 1]} : vector<1024x256xf32> to vector<1024x128xf32>
    %swap3A = arith.constant 0 : index
    %swap3A_32 = arith.constant 0 : index
    %swap3A_33 = arith.constant 0 : index
    %swap3A_34 = vector.load %arg6[%swap3A, %swap3A_32, %swap3A_33] : memref<2x1024x128xf32, #tpu.memory_space<vmem>>, vector<1x1024x128xf32>
    %swap3A_35 = vector.shape_cast %swap3A_34 : vector<1x1024x128xf32> to vector<1024x128xf32>
    %swap3A_36 = vector.shape_cast %slice3A : vector<1024x128xf32> to vector<1x1024x128xf32>
    tpu.vector_store %arg6[%swap3A, %swap3A_32, %swap3A_33], %swap3A_36 {strides = array<i32>} : memref<2x1024x128xf32, #tpu.memory_space<vmem>>, vector<1x1024x128xf32>,
    %slice3A_37 = vector.extract_strided_slice %mul3A_31 {offsets = [0, 128], sizes = [1024, 128], strides = [1, 1]} : vector<1024x256xf32> to vector<1024x128xf32>
    %swap3A_38 = arith.constant 1 : index
    %swap3A_39 = arith.constant 0 : index
    %swap3A_40 = arith.constant 0 : index
    %swap3A_41 = vector.load %arg6[%swap3A_38, %swap3A_39, %swap3A_40] : memref<2x1024x128xf32, #tpu.memory_space<vmem>>, vector<1x1024x128xf32>
    %swap3A_42 = vector.shape_cast %swap3A_41 : vector<1x1024x128xf32> to vector<1024x128xf32>
    %swap3A_43 = vector.shape_cast %slice3A_37 : vector<1024x128xf32> to vector<1x1024x128xf32>
    tpu.vector_store %arg6[%swap3A_38, %swap3A_39, %swap3A_40], %swap3A_43 {strides = array<i32>} : memref<2x1024x128xf32, #tpu.memory_space<vmem>>, vector<1x1024x128xf32>,
    return
  }
  func.func @transform_0(%arg0: i32) -> (i32, i32) {
    %c0_i32 = arith.constant 0 : i32
    %c0_i32_0 = arith.constant 0 : i32
    return %arg0, %c0_i32 : i32, i32
  }
  func.func @transform_1(%arg0: i32) -> (i32, i32, i32) {
    %c0_i32 = arith.constant 0 : i32
    %c0_i32_0 = arith.constant 0 : i32
    %c0_i32_1 = arith.constant 0 : i32
    return %c0_i32, %arg0, %c0_i32_0 : i32, i32, i32
  }
  func.func @transform_2(%arg0: i32) -> (i32, i32) {
    %c0_i32 = arith.constant 0 : i32
    %c0_i32_0 = arith.constant 0 : i32
    return %arg0, %c0_i32 : i32, i32
  }
  func.func @transform_3(%arg0: i32) -> (i32, i32) {
    %c0_i32 = arith.constant 0 : i32
    %c0_i32_0 = arith.constant 0 : i32
    %c0_i32_1 = arith.constant 0 : i32
    return %c0_i32, %c0_i32_0 : i32, i32
  }
  func.func @transform_4(%arg0: i32) -> (i32, i32) {
    %c0_i32 = arith.constant 0 : i32
    %c0_i32_0 = arith.constant 0 : i32
    %c0_i32_1 = arith.constant 0 : i32
    return %c0_i32, %c0_i32_0 : i32, i32
  }
  func.func @transform_5(%arg0: i32) -> (i32, i32, i32) {
    %c0_i32 = arith.constant 0 : i32
    %c0_i32_0 = arith.constant 0 : i32
    %c0_i32_1 = arith.constant 0 : i32
    return %c0_i32, %arg0, %c0_i32_0 : i32, i32, i32
  }
}

module attributes {stable_mosaic.version = 14 : i64} {
  func.func @_out_body(%arg0: i32, %arg1: memref<1024x256xf32, #tpu.memory_space<vmem>>, %arg2: memref<1x1024x128xf32, #tpu.memory_space<vmem>>, %arg3: memref<1x1024x128xf32, #tpu.memory_space<vmem>>, %arg4: memref<1024x1xf32, #tpu.memory_space<vmem>>, %arg5: memref<1024x1xi32, #tpu.memory_space<vmem>>, %arg6: memref<1x256xf32, #tpu.memory_space<vmem>>, %arg7: memref<256x256xf32, #tpu.memory_space<vmem>>, %arg8: memref<1x256xf32, #tpu.memory_space<vmem>>, %arg9: memref<256x1xf32, #tpu.memory_space<vmem>>, %arg10: memref<1x1xf32, #tpu.memory_space<vmem>>, %arg11: memref<64x1xf32, #tpu.memory_space<vmem>>, %arg12: memref<64x256xf32, #tpu.memory_space<vmem>>, %arg13: memref<64x1xf32, #tpu.memory_space<vmem>>) attributes {dimension_semantics = [#tpu.dimension_semantics<arbitrary>], iteration_bounds = array<i64: 10>, scalar_prefetch = 0 : i64, scratch_operands = 2 : i64, tpu.core_type = #tpu.core_type<tc>, window_params = [{transform_indices = @transform_0, window_bounds = array<i64: 1024, 256>}, {transform_indices = @transform_1, window_bounds = array<i64: 1, 1024, 128>}, {transform_indices = @transform_2, window_bounds = array<i64: 1, 1024, 128>}, {transform_indices = @transform_3, window_bounds = array<i64: 1024, 1>}, {transform_indices = @transform_4, window_bounds = array<i64: 1024, 1>}, {pipeline_mode = #tpu.pipeline_mode<synchronous>, transform_indices = @transform_5, window_bounds = array<i64: 1, 256>}, {pipeline_mode = #tpu.pipeline_mode<synchronous>, transform_indices = @transform_6, window_bounds = array<i64: 256, 256>}, {pipeline_mode = #tpu.pipeline_mode<synchronous>, transform_indices = @transform_7, window_bounds = array<i64: 1, 256>}, {pipeline_mode = #tpu.pipeline_mode<synchronous>, transform_indices = @transform_8, window_bounds = array<i64: 256, 1>}, {pipeline_mode = #tpu.pipeline_mode<synchronous>, transform_indices = @transform_9, window_bounds = array<i64: 1, 1>}, {pipeline_mode = #tpu.pipeline_mode<synchronous>, transform_indices = @transform_10, window_bounds = array<i64: 64, 1>}]} {
    %eq3A = arith.constant 0 : i32
    %eq3A_0 = arith.cmpi eq, %arg0, %eq3A : i32
    %convert_element_type3A = arith.extui %eq3A_0 : i1 to i32
    %cond3A = arith.constant 0 : i32
    %cond3A_1 = arith.cmpi ne, %convert_element_type3A, %cond3A : i32
    scf.if %cond3A_1 {
      %broadcast_in_dim3A_55 = arith.constant 0.000000e+00 : f32
      %broadcast_in_dim3A_56 = vector.broadcast %broadcast_in_dim3A_55 : f32 to vector<64x256xf32>
      %swap3A_57 = arith.constant 0 : index
      %swap3A_58 = arith.constant 0 : index
      %swap3A_59 = vector.load %arg12[%swap3A_57, %swap3A_58] : memref<64x256xf32, #tpu.memory_space<vmem>>, vector<64x256xf32>
      tpu.vector_store %arg12[%swap3A_57, %swap3A_58], %broadcast_in_dim3A_56 {strides = array<i32>} : memref<64x256xf32, #tpu.memory_space<vmem>>, vector<64x256xf32>,
      %broadcast_in_dim3A_60 = arith.constant 0.000000e+00 : f32
      %broadcast_in_dim3A_61 = vector.broadcast %broadcast_in_dim3A_60 : f32 to vector<64x1xf32>
      %swap3A_62 = arith.constant 0 : index
      %swap3A_63 = arith.constant 0 : index
      %swap3A_64 = vector.load %arg13[%swap3A_62, %swap3A_63] : memref<64x1xf32, #tpu.memory_space<vmem>>, vector<64x1xf32>
      tpu.vector_store %arg13[%swap3A_62, %swap3A_63], %broadcast_in_dim3A_61 {strides = array<i32>} : memref<64x1xf32, #tpu.memory_space<vmem>>, vector<64x1xf32>,
    } else {
    }
    %get3A = arith.constant 0 : index
    %get3A_2 = arith.constant 0 : index
    %get3A_3 = arith.constant 0 : index
    %get3A_4 = vector.load %arg2[%get3A, %get3A_2, %get3A_3] : memref<1x1024x128xf32, #tpu.memory_space<vmem>>, vector<1x1024x128xf32>
    %get3A_5 = vector.shape_cast %get3A_4 : vector<1x1024x128xf32> to vector<1024x128xf32>
    %get3A_6 = arith.constant 0 : index
    %get3A_7 = arith.constant 0 : index
    %get3A_8 = arith.constant 0 : index
    %get3A_9 = vector.load %arg3[%get3A_6, %get3A_7, %get3A_8] : memref<1x1024x128xf32, #tpu.memory_space<vmem>>, vector<1x1024x128xf32>
    %get3A_10 = vector.shape_cast %get3A_9 : vector<1x1024x128xf32> to vector<1024x128xf32>
    %concatenate3A = tpu.concatenate %get3A_5, %get3A_10 in 1 : vector<1024x128xf32>, vector<1024x128xf32> -> vector<1024x256xf32>
    %get3A_11 = arith.constant 0 : index
    %get3A_12 = arith.constant 0 : index
    %get3A_13 = vector.load %arg4[%get3A_11, %get3A_12] : memref<1024x1xf32, #tpu.memory_space<vmem>>, vector<1024x1xf32>
    %get3A_14 = arith.constant 0 : index
    %get3A_15 = arith.constant 0 : index
    %get3A_16 = vector.load %arg1[%get3A_14, %get3A_15] : memref<1024x256xf32, #tpu.memory_space<vmem>>, vector<1024x256xf32>
    %add3A = arith.addf %get3A_16, %concatenate3A : vector<1024x256xf32>
    %mul3A = vector.broadcast %get3A_13 : vector<1024x1xf32> to vector<1024x256xf32>
    %mul3A_17 = arith.mulf %mul3A, %add3A : vector<1024x256xf32>
    %get3A_18 = arith.constant 0 : index
    %get3A_19 = arith.constant 0 : index
    %get3A_20 = vector.load %arg6[%get3A_18, %get3A_19] : memref<1x256xf32, #tpu.memory_space<vmem>>, vector<1x256xf32>
    %add3A_21 = vector.broadcast %get3A_20 : vector<1x256xf32> to vector<1024x256xf32>
    %add3A_22 = arith.addf %mul3A_17, %add3A_21 : vector<1024x256xf32>
    %max3A = arith.constant 0.000000e+00 : f32
    %max3A_23 = vector.broadcast %max3A : f32 to vector<1024x256xf32>
    %max3A_24 = arith.maximumf %add3A_22, %max3A_23 : vector<1024x256xf32>
    %get3A_25 = arith.constant 0 : index
    %get3A_26 = arith.constant 0 : index
    %get3A_27 = vector.load %arg5[%get3A_25, %get3A_26] : memref<1024x1xi32, #tpu.memory_space<vmem>>, vector<1024x1xi32>
    %iota3A = tpu.iota {dimensions = array<i32: 1>} : vector<1x64xi32>
    %eq3A_28 = vector.broadcast %get3A_27 : vector<1024x1xi32> to vector<1024x64xi32>
    %eq3A_29 = vector.broadcast %iota3A : vector<1x64xi32> to vector<1024x64xi32>
    %eq3A_30 = arith.cmpi eq, %eq3A_28, %eq3A_29 : vector<1024x64xi32>
    %convert_element_type3A_31 = arith.extui %eq3A_30 : vector<1024x64xi1> to vector<1024x64xi32>
    %convert_element_type3A_32 = arith.sitofp %convert_element_type3A_31 : vector<1024x64xi32> to vector<1024x64xf32>
    %get3A_33 = arith.constant 0 : index
    %get3A_34 = arith.constant 0 : index
    %get3A_35 = vector.load %arg12[%get3A_33, %get3A_34] : memref<64x256xf32, #tpu.memory_space<vmem>>, vector<64x256xf32>
    %dot_general3A = arith.constant dense<0.000000e+00> : vector<64x256xf32>
    %dot_general3A_36 = tpu.matmul %convert_element_type3A_32, %max3A_24, %dot_general3A {dimension_numbers = #tpu.dot_dimension_numbers<[0], [0], [1], [1], [0, 1, 1, 1], [], []>, precision = #tpu.contract_precision<fp32>, transpose_lhs_hint = false} : vector<1024x64xf32>, vector<1024x256xf32>, vector<64x256xf32> -> vector<64x256xf32>
    %add3A_37 = arith.addf %get3A_35, %dot_general3A_36 : vector<64x256xf32>
    %swap3A = arith.constant 0 : index
    %swap3A_38 = arith.constant 0 : index
    %swap3A_39 = vector.load %arg12[%swap3A, %swap3A_38] : memref<64x256xf32, #tpu.memory_space<vmem>>, vector<64x256xf32>
    tpu.vector_store %arg12[%swap3A, %swap3A_38], %add3A_37 {strides = array<i32>} : memref<64x256xf32, #tpu.memory_space<vmem>>, vector<64x256xf32>,
    %get3A_40 = arith.constant 0 : index
    %get3A_41 = arith.constant 0 : index
    %get3A_42 = vector.load %arg13[%get3A_40, %get3A_41] : memref<64x1xf32, #tpu.memory_space<vmem>>, vector<64x1xf32>
    %broadcast_in_dim3A = arith.constant 1.000000e+00 : f32
    %broadcast_in_dim3A_43 = vector.broadcast %broadcast_in_dim3A : f32 to vector<1024x1xf32>
    %dot_general3A_44 = arith.constant dense<0.000000e+00> : vector<64x1xf32>
    %dot_general3A_45 = tpu.matmul %convert_element_type3A_32, %broadcast_in_dim3A_43, %dot_general3A_44 {dimension_numbers = #tpu.dot_dimension_numbers<[0], [0], [1], [1], [0, 1, 1, 1], [], []>, precision = #tpu.contract_precision<fp32>, transpose_lhs_hint = false} : vector<1024x64xf32>, vector<1024x1xf32>, vector<64x1xf32> -> vector<64x1xf32>
    %add3A_46 = arith.addf %get3A_42, %dot_general3A_45 : vector<64x1xf32>
    %swap3A_47 = arith.constant 0 : index
    %swap3A_48 = arith.constant 0 : index
    %swap3A_49 = vector.load %arg13[%swap3A_47, %swap3A_48] : memref<64x1xf32, #tpu.memory_space<vmem>>, vector<64x1xf32>
    tpu.vector_store %arg13[%swap3A_47, %swap3A_48], %add3A_46 {strides = array<i32>} : memref<64x1xf32, #tpu.memory_space<vmem>>, vector<64x1xf32>,
    %eq3A_50 = arith.constant 9 : i32
    %eq3A_51 = arith.cmpi eq, %arg0, %eq3A_50 : i32
    %convert_element_type3A_52 = arith.extui %eq3A_51 : i1 to i32
    %cond3A_53 = arith.constant 0 : i32
    %cond3A_54 = arith.cmpi ne, %convert_element_type3A_52, %cond3A_53 : i32
    scf.if %cond3A_54 {
      %get3A_55 = arith.constant 0 : index
      %get3A_56 = arith.constant 0 : index
      %get3A_57 = vector.load %arg12[%get3A_55, %get3A_56] : memref<64x256xf32, #tpu.memory_space<vmem>>, vector<64x256xf32>
      %get3A_58 = arith.constant 0 : index
      %get3A_59 = arith.constant 0 : index
      %get3A_60 = vector.load %arg13[%get3A_58, %get3A_59] : memref<64x1xf32, #tpu.memory_space<vmem>>, vector<64x1xf32>
      %max3A_61 = arith.constant 1.000000e+00 : f32
      %max3A_62 = vector.broadcast %max3A_61 : f32 to vector<64x1xf32>
      %max3A_63 = arith.maximumf %get3A_60, %max3A_62 : vector<64x1xf32>
      %div3A = vector.broadcast %max3A_63 : vector<64x1xf32> to vector<64x256xf32>
      %div3A_64 = arith.divf %get3A_57, %div3A : vector<64x256xf32>
      %get3A_65 = arith.constant 0 : index
      %get3A_66 = arith.constant 0 : index
      %get3A_67 = vector.load %arg7[%get3A_65, %get3A_66] : memref<256x256xf32, #tpu.memory_space<vmem>>, vector<256x256xf32>
      %dot_general3A_68 = arith.constant dense<0.000000e+00> : vector<64x256xf32>
      %dot_general3A_69 = tpu.matmul %div3A_64, %get3A_67, %dot_general3A_68 {dimension_numbers = #tpu.dot_dimension_numbers<[1], [0], [0], [1], [0, 0, 1, 1], [], []>, precision = #tpu.contract_precision<fp32>, transpose_lhs_hint = false} : vector<64x256xf32>, vector<256x256xf32>, vector<64x256xf32> -> vector<64x256xf32>
      %get3A_70 = arith.constant 0 : index
      %get3A_71 = arith.constant 0 : index
      %get3A_72 = vector.load %arg8[%get3A_70, %get3A_71] : memref<1x256xf32, #tpu.memory_space<vmem>>, vector<1x256xf32>
      %add3A_73 = vector.broadcast %get3A_72 : vector<1x256xf32> to vector<64x256xf32>
      %add3A_74 = arith.addf %dot_general3A_69, %add3A_73 : vector<64x256xf32>
      %max3A_75 = arith.constant 0.000000e+00 : f32
      %max3A_76 = vector.broadcast %max3A_75 : f32 to vector<64x256xf32>
      %max3A_77 = arith.maximumf %add3A_74, %max3A_76 : vector<64x256xf32>
      %get3A_78 = arith.constant 0 : index
      %get3A_79 = arith.constant 0 : index
      %get3A_80 = vector.load %arg9[%get3A_78, %get3A_79] : memref<256x1xf32, #tpu.memory_space<vmem>>, vector<256x1xf32>
      %dot_general3A_81 = arith.constant dense<0.000000e+00> : vector<64x1xf32>
      %dot_general3A_82 = tpu.matmul %max3A_77, %get3A_80, %dot_general3A_81 {dimension_numbers = #tpu.dot_dimension_numbers<[1], [0], [0], [1], [0, 0, 1, 1], [], []>, precision = #tpu.contract_precision<fp32>, transpose_lhs_hint = false} : vector<64x256xf32>, vector<256x1xf32>, vector<64x1xf32> -> vector<64x1xf32>
      %get3A_83 = arith.constant 0 : index
      %get3A_84 = arith.constant 0 : index
      %get3A_85 = vector.load %arg10[%get3A_83, %get3A_84] : memref<1x1xf32, #tpu.memory_space<vmem>>, vector<1x1xf32>
      %add3A_86 = vector.broadcast %get3A_85 : vector<1x1xf32> to vector<64x1xf32>
      %add3A_87 = arith.addf %dot_general3A_82, %add3A_86 : vector<64x1xf32>
      %logistic3A = arith.negf %add3A_87 : vector<64x1xf32>
      %logistic3A_88 = math.exp %logistic3A : vector<64x1xf32>
      %logistic3A_89 = arith.constant 1.000000e+00 : f32
      %logistic3A_90 = vector.broadcast %logistic3A_89 : f32 to vector<64x1xf32>
      %logistic3A_91 = arith.addf %logistic3A_90, %logistic3A_88 : vector<64x1xf32>
      %logistic3A_92 = arith.divf %logistic3A_90, %logistic3A_91 : vector<64x1xf32>
      %swap3A_93 = arith.constant 0 : index
      %swap3A_94 = arith.constant 0 : index
      %swap3A_95 = vector.load %arg11[%swap3A_93, %swap3A_94] : memref<64x1xf32, #tpu.memory_space<vmem>>, vector<64x1xf32>
      tpu.vector_store %arg11[%swap3A_93, %swap3A_94], %logistic3A_92 {strides = array<i32>} : memref<64x1xf32, #tpu.memory_space<vmem>>, vector<64x1xf32>,
    } else {
    }
    return
  }
  func.func @transform_0(%arg0: i32) -> (i32, i32) {
    %c0_i32 = arith.constant 0 : i32
    %c0_i32_0 = arith.constant 0 : i32
    return %arg0, %c0_i32 : i32, i32
  }
  func.func @transform_1(%arg0: i32) -> (i32, i32, i32) {
    %c0_i32 = arith.constant 0 : i32
    %c0_i32_0 = arith.constant 0 : i32
    %c0_i32_1 = arith.constant 0 : i32
    return %c0_i32, %arg0, %c0_i32_0 : i32, i32, i32
  }
  func.func @transform_2(%arg0: i32) -> (i32, i32, i32) {
    %c1_i32 = arith.constant 1 : i32
    %c0_i32 = arith.constant 0 : i32
    %c0_i32_0 = arith.constant 0 : i32
    return %c1_i32, %arg0, %c0_i32 : i32, i32, i32
  }
  func.func @transform_3(%arg0: i32) -> (i32, i32) {
    %c0_i32 = arith.constant 0 : i32
    %c0_i32_0 = arith.constant 0 : i32
    return %arg0, %c0_i32 : i32, i32
  }
  func.func @transform_4(%arg0: i32) -> (i32, i32) {
    %c0_i32 = arith.constant 0 : i32
    %c0_i32_0 = arith.constant 0 : i32
    return %arg0, %c0_i32 : i32, i32
  }
  func.func @transform_5(%arg0: i32) -> (i32, i32) {
    %c0_i32 = arith.constant 0 : i32
    %c0_i32_0 = arith.constant 0 : i32
    %c0_i32_1 = arith.constant 0 : i32
    return %c0_i32, %c0_i32_0 : i32, i32
  }
  func.func @transform_6(%arg0: i32) -> (i32, i32) {
    %c0_i32 = arith.constant 0 : i32
    %c0_i32_0 = arith.constant 0 : i32
    %c0_i32_1 = arith.constant 0 : i32
    return %c0_i32, %c0_i32_0 : i32, i32
  }
  func.func @transform_7(%arg0: i32) -> (i32, i32) {
    %c0_i32 = arith.constant 0 : i32
    %c0_i32_0 = arith.constant 0 : i32
    %c0_i32_1 = arith.constant 0 : i32
    return %c0_i32, %c0_i32_0 : i32, i32
  }
  func.func @transform_8(%arg0: i32) -> (i32, i32) {
    %c0_i32 = arith.constant 0 : i32
    %c0_i32_0 = arith.constant 0 : i32
    %c0_i32_1 = arith.constant 0 : i32
    return %c0_i32, %c0_i32_0 : i32, i32
  }
  func.func @transform_9(%arg0: i32) -> (i32, i32) {
    %c0_i32 = arith.constant 0 : i32
    %c0_i32_0 = arith.constant 0 : i32
    %c0_i32_1 = arith.constant 0 : i32
    return %c0_i32, %c0_i32_0 : i32, i32
  }
  func.func @transform_10(%arg0: i32) -> (i32, i32) {
    %c0_i32 = arith.constant 0 : i32
    %c0_i32_0 = arith.constant 0 : i32
    %c0_i32_1 = arith.constant 0 : i32
    return %c0_i32, %c0_i32_0 : i32, i32
  }
}

</mosaic_0001>

<sc_bundles>
// kernel: kernel.12.cloned.1.call-start
scs
__scs_entry_jumppad:
0x0: {  	(pc) =	sbr.rel $0x88, $3  }
0x1: {  	(tag) =	ssettag $0x0;
	lr =	simm.s32 $0x1  }
0x2: {  	[smem:$0x3F94] =	sst lr;
	_ =	strace $0xD0000000  }
0x3: {  	_ = 	snop  }
0x4: {  	_ = 	snop  }
0x5: {  	_ = 	snop  }
0x6: {  	_ = 	snop  }
0x7: {  	_ = 	snop  }
__scs_overlays_trampoline_lowered:
0x8: {  	[smem:$0x3FA3] =	sst s0  }
0x9: {  	[smem:$0x3FA4] =	sst s1  }
0xa: {  	[smem:$0x3FA5] =	sst s2  }
0xb: {  	[smem:$0x3FA6] =	sst s3  }
0xc: {  	[smem:$0x3FA7] =	sst s4  }
0xd: {  	[smem:$0x3FA8] =	sst s5  }
0xe: {  	[smem:$0x3FA9] =	sst s6  }
0xf: {  	[smem:$0x3FAA] =	sst s7  }
0x10: {  	[smem:$0x3FAB] =	sst s8  }
0x11: {  	[smem:$0x3FAC] =	sst s9;
	s0 =	simm.s32 @!p0 $0x0  }
0x12: {  	s1 =	sld [smem:$0x3F92];
	s0 =	simm.s32 @p0 $0x1  }
0x13: {  	[smem:$0x3FAD] =	sst s0;
	s0 =	simm.s32 @!p1 $0x0  }
0x14: {  	s2 =	sld [smem:$0x3F91];
	s0 =	simm.s32 @p1 $0x1  }
0x15: {  	[smem:$0x3FAE] =	sst s0;
	s0 =	simm.s32 @!p2 $0x0  }
0x16: {  	s3 =	sld [smem:$0x3FDB];
	s0 =	simm.s32 @p2 $0x1  }
0x17: {  	s4 =	simm.s32 $0x1BF5;
	[smem:$0x3FB0] =	sst s0  }
0x18: {  	s0 =	sld [smem:$0x3F93];
	_ =	swait.ge [sflag:s4], $0x0  }
0x19: {  	s7 =	sld [smem:$0x3F94]  }
0x1a: {  	s8 =	sadd.s32 $0xFFFFE003, lr  }
0x1b: {  	s9 =	sadd.s32 $0xFFFFFEF7, lr;
	s5 =	simm.s32 $0xFFFFFFFF;
	p2 =	slt.u32 s8, $0xFFFFF086  }
0x1c: {  	p1 =	slt.u32 s9, $0xF7A;
	s5 =	simm.s32 @!p2 $0x0  }
0x1d: {  	s5 =	simm.s32 @p1 $0x1;
	p0 =	seq.s32 s7, s2  }
0x1e: {  	s7 =	smul.u32 @!p0 $0xF7A, s2;
	p2 =	seq.s32 @!p0 s5, $0x0  }
0x1f: {  	s9 =	smul.u32 $0xF7A, s1;
	s8 =	simm.s32 @!p0 $0x1BF5;
	p2 =	por !p2, p0  }
0x20: {  	[sflag:s8] =	ssyncset.s32 @!p0 $0xFFFFF086;
	s6 =	sadd.s32 @!p0 s3, s7;
	s7 =	simm.s32 @!p0 $0x108  }
0x21: {  	s3 =	sadd.s32 s3, s9;
	s6 =	sadd.s32 @!p0 $0x88, s6;
	s7 =	simm.s32 @p2 $0x1082  }
0x22: {  	[simem:s7], [sflag:s8] =	dma.local @!p0 [hbm:s6], $0xF7A  }
0x23: {  	s9 =	sor.u32 $0xD0000000, s2;
	s6 =	simm.s32 $0x108;
	_ =	swait.ge @!p0 [sflag:s8], $0x0  }
0x24: {  	s3 =	sadd.s32 $0x88, s3;
	s6 =	simm.s32 @!p1 $0x1082;
	[sflag:s4] =	ssyncset.s32 $0xFFFFF086  }
0x25: {  	[simem:s6], [sflag:s4] =	dma.local [hbm:s3], $0xF7A  }
0x26: {  	[smem:$0x3F94] =	sst s1;
	(tag) =	ssettag s2;
	_ =	strace s9  }
0x27: {  	s1 =	sld [smem:$0x3FA4]  }
0x28: {  	s2 =	sld [smem:$0x3FA5]  }
0x29: {  	s4 =	sld [smem:$0x3FA7]  }
0x2a: {  	p0 =	seq.s32 s5, $0x0;
	s5 =	sld [smem:$0x3FA8]  }
0x2b: {  	s6 =	sld [smem:$0x3FA9]  }
0x2c: {  	s7 =	sld [smem:$0x3FAA]  }
0x2d: {  	s3 =	simm.s32 $0x108;
	s8 =	sld [smem:$0x3FAB]  }
0x2e: {  	s3 =	simm.s32 @!p0 $0x1082;
	s9 =	sld [smem:$0x3FAC]  }
0x2f: {  	lr =	sadd.s32 s0, s3;
	s0 =	sld [smem:$0x3FA3]  }
0x30: {  	s3 =	sld [smem:$0x3FA6]  }
0x31: {  	[smem:$0x3FAF] =	sst s10  }
0x32: {  	s10 =	sld [smem:$0x3FAD];
	_ =	sdelay $0x3  }
0x33: {  	p0 =	seq.s32 s10, $0x1;
	s10 =	sld [smem:$0x3FAF];
	_ =	sdelay $0x3  }
0x34: {  	[smem:$0x3FAF] =	sst s10  }
0x35: {  	s10 =	sld [smem:$0x3FAE];
	_ =	sdelay $0x3  }
0x36: {  	p1 =	seq.s32 s10, $0x1;
	s10 =	sld [smem:$0x3FAF];
	_ =	sdelay $0x3  }
0x37: {  	[smem:$0x3FAF] =	sst s10  }
0x38: {  	s10 =	sld [smem:$0x3FB0]  }
0x39: {  	_ = 	snop;
	(pc) =	sbr.ind lr, $3  }
0x3a: {  	_ = 	snop  }
0x3b: {  	_ = 	snop  }
0x3c: {  	p2 =	seq.s32 s10, $0x1;
	s10 =	sld [smem:$0x3FAF]  }
0x3d: {  	_ =	shalt  }
0x3e: {  	_ =	shalt  }
0x3f: {  	_ =	shalt  }
0x40: {  	_ =	shalt  }
0x41: {  	_ =	shalt  }
0x42: {  	_ =	shalt  }
0x43: {  	_ =	shalt  }
0x44: {  	_ =	shalt  }
0x45: {  	_ =	shalt  }
0x46: {  	_ =	shalt  }
0x47: {  	_ =	shalt  }
0x48: {  	_ =	shalt  }
0x49: {  	_ =	shalt  }
0x4a: {  	_ =	shalt  }
0x4b: {  	_ =	shalt  }
0x4c: {  	_ =	shalt  }
0x4d: {  	_ =	shalt  }
0x4e: {  	_ =	shalt  }
0x4f: {  	_ =	shalt  }
0x50: {  	_ =	shalt  }
0x51: {  	_ =	shalt  }
0x52: {  	_ =	shalt  }
0x53: {  	_ =	shalt  }
0x54: {  	_ =	shalt  }
0x55: {  	_ =	shalt  }
0x56: {  	_ =	shalt  }
0x57: {  	_ =	shalt  }
0x58: {  	_ =	shalt  }
0x59: {  	_ =	shalt  }
0x5a: {  	_ =	shalt  }
0x5b: {  	_ =	shalt  }
0x5c: {  	_ =	shalt  }
0x5d: {  	_ =	shalt  }
0x5e: {  	_ =	shalt  }
0x5f: {  	_ =	shalt  }
0x60: {  	_ =	shalt  }
0x61: {  	_ =	shalt  }
0x62: {  	_ =	shalt  }
0x63: {  	_ =	shalt  }
0x64: {  	_ =	shalt  }
0x65: {  	_ =	shalt  }
0x66: {  	_ =	shalt  }
0x67: {  	_ =	shalt  }
0x68: {  	_ =	shalt  }
0x69: {  	_ =	shalt  }
0x6a: {  	_ =	shalt  }
0x6b: {  	_ =	shalt  }
0x6c: {  	_ =	shalt  }
0x6d: {  	_ =	shalt  }
0x6e: {  	_ =	shalt  }
0x6f: {  	_ =	shalt  }
0x70: {  	_ =	shalt  }
0x71: {  	_ =	shalt  }
0x72: {  	_ =	shalt  }
0x73: {  	_ =	shalt  }
0x74: {  	_ =	shalt  }
0x75: {  	_ =	shalt  }
0x76: {  	_ =	shalt  }
0x77: {  	_ =	shalt  }
0x78: {  	_ =	shalt  }
0x79: {  	_ =	shalt  }
0x7a: {  	_ =	shalt  }
0x7b: {  	_ =	shalt  }
0x7c: {  	_ =	shalt  }
0x7d: {  	_ =	shalt  }
0x7e: {  	_ =	shalt  }
0x7f: {  	_ =	shalt  }
0x80: {  	_ =	shalt  }
0x81: {  	_ =	shalt  }
0x82: {  	_ =	shalt  }
0x83: {  	_ =	shalt  }
0x84: {  	_ =	shalt  }
0x85: {  	_ =	shalt  }
0x86: {  	_ =	shalt  }
0x87: {  	_ =	shalt  }
.Lfunc_end0:
.L_simem_size_0:
called_computation.1_lowered:
.L_overlay_start_0:
0x88: {  	s2 =	sld [smem:$0x3FD9]  }
0x89: {  	s3 =	sld [smem:$0x3FFE];
	_ =	sdelay $0x1  }
0x8a: {  	s1 =	srdreg.scid  }
0x8b: {  	s0 =	sand.u32 $0x1, s1  }
0x8c: {  	s16 =	sshll.u32 s0, $0xA;
	s2 =	sadd.s32 s3, s2  }
0x8d: {  	s2 =	sadd.s32 s2, s16  }
0x8e: {  	[smem:$0x3FBB] =	sst s2  }
0x8f: {  	_ = 	snop  }
0x90: {  	(tm) =	ssettm $0x1  }
0x91: {  	s17 =	sld [smem:$0x3FFB];
	_ =	sdelay $0x3  }
0x92: {  	_ =	strace s17  }
0x93: {  	s2 =	sld [smem:$0x3FFC];
	_ =	sdelay $0x3  }
0x94: {  	_ =	strace s2  }
0x95: {  	s2 =	sld [smem:$0x3FFD];
	_ =	sdelay $0x3  }
0x96: {  	_ =	strace s2  }
0x97: {  	_ =	strace $0x8FFFFFFF  }
0x98: {  	s18 =	sld [smem:$0x3FDB];
	_ =	sdelay $0x1  }
0x99: {  	s19 =	simm.s32 $_scs_section_size  }
0x9a: {  	s4 =	simm.s32 $_size__tile_overlayer_lowered;
	s5 =	simm.s32 $_tile_overlayer_lowered  }
0x9b: {  	s22 =	simm.s32 $0x1BFF;
	s21 =	sshll.u32 s5, $0x1;
	s2 =	sadd.s32 s19, s18  }
0x9c: {  	s6 =	simm.s32 $0x0;
	s20 =	sshll.u32 s4, $0x1;
	s4 =	sadd.s32 s21, s2  }
0x9d: {  	[timem:s6], [sflag:s22] =	dma.local [hbm:s4], s20  }
0x9e: {  	_ =	swait.ge [sflag:s22], s20  }
0x9f: {  	s3 =	ssub.s32 $0x0, s20;
	[sflag:s22] =	ssyncset.done $0x0  }
0xa0: {  	[sflag:s22] =	ssyncadd.s32 s3;
	_ =	sdelay $0x1  }
0xa1: {  	s23 =	simm.s32 $0x1B8B  }
0xa2: {  	_ =	swait.ge [sflag:s23], $0x1  }
0xa3: {  	[sflag:s23] =	ssyncset.done $0x0  }
0xa4: {  	s25 =	simm.s32 $0x1B8E;
	s24 =	sld [smem:$0x3FFE];
	[sflag:s23] =	ssyncadd.s32 $0xFFFFFFFF  }
0xa5: {  	s26 =	simm.s32 $execute0_lowered;
	[smem:$0x3FD2] =	sst s25  }
0xa6: {  	s4 =	sshll.u32 s26, $0x1;
	_ =	strace $0x80000049;
	[dreg:$0x1] =	wrdreg $0xFFFFFFFF  }
0xa7: {  	s28 =	simm.s32 $_size_execute0_lowered;
	s2 =	sadd.s32 s2, s4;
	[dreg:$0x0] =	wrdreg $0x0  }
0xa8: {  	s4 =	sshll.u32 s28, $0x1;
	[dreg:$0x2] =	wrdreg s2  }
0xa9: {  	[dreg:$0x3] =	wrdreg s4  }
0xaa: {  	[dreg:$0x4] =	wrdreg $0xC0  }
0xab: {  	_ =	task [dreg:s6], $0x5FFFF  }
0xac: {  	[dreg:$0x1] =	wrdreg $0xFFFFFFFF  }
0xad: {  	[dreg:$0x0] =	wrdreg $0x60  }
0xae: {  	[dreg:$0x2] =	wrdreg s24  }
0xaf: {  	[dreg:$0x3] =	wrdreg $0x42000  }
0xb0: {  	[dreg:$0x4] =	wrdreg $0x9  }
0xb1: {  	_ =	task.clear_ibuf [dreg:s6], $0x5FFFF;
	_ =	strace $0x90000049  }
0xb2: {  	s29 =	simm.s32 $0x9;
	_ =	strace $0x8000004B  }
0xb3: {  	_ =	swait.ge [sflag:s29], $0x1  }
0xb4: {  	[sflag:s29] =	ssyncadd.s32 $0xFFFFFFFF  }
0xb5: {  	_ =	strace $0x9000004B  }
0xb6: {  	_ =	sfence  }
0xb7: {  	s30 =	sld [smem:$0x0];
	_ =	sdelay $0x2  }
0xb8: {  	s31 =	sshll.u32 s1, $0xD;
	s1 =	sshrl.u32 s1, $0x2  }
0xb9: {  	s3 =	sand.u32 $0x4000, s31;
	s1 =	sadd.s32 s1, s30  }
0xba: {  	s0 =	sor.u32 s3, s0;
	s1 =	sshll.u32 s1, $0x11  }
0xbb: {  	s0 =	sor.u32 s1, s0  }
0xbc: {  	s0 =	sadd.s32 $0x8F2B, s0  }
0xbd: {  	[sflag:s0] =	ssyncadd.remote.s32 $0x1  }
0xbe: {  	_ =	sfence.sel $0xFFFF  }
0xbf: {  	[dreg:$0x0] =	wrdreg $0xFFFFFFFF;
	(pc) =	sbr.abs _section_cstart, $3  }
0xc0: {  	[dreg:$0x1] =	wrdreg $0xFFFFFFFF  }
0xc1: {  	_ =	task.clear_ibuf [dreg:s6], $0x2FFFF;
	_ =	strace $0x9FFFFFFF  }
0xc2: {  	(tm) =	ssettm $0x7FFFFFFF  }
0xc3: {  	_ =	shalt  }
tec
execute0_lowered:
.L_overlay_start_1:
0x0: {  	(tag) =	ssettag $0x1  }
0x1: {  	s5 =	rddreg [dreg:$0x0]  }
0x2: {  	s1 =	rddreg [dreg:$0x1]  }
0x3: {  	s0 =	rddreg [dreg:$0x2]  }
0x4: {  	s2 =	simm.s32 $0x0;
	s3 =	srdreg.scid;
	s16 =	simm.s32 $0x200  }
0x5: {  	s17 =	simm.s32 $0x1;
	s18 =	simm.s32 $0x100;
	s19 =	simm.s32 $0x180  }
0x6: {  	s20 =	simm.s32 $0x10;
	s21 =	simm.s32 $0x8;
	s4 =	sand.u32 $0x1, s3  }
0x7: {  	s22 =	simm.s32 $0x0;
	s3 =	stileid.u32;
	s6 =	smul.u32 $0x28000, s4  }
0x8: {  	[smem:$0x7FF] =	sst s2;
	s12 =	sadd.s32 $0x6A00, s5;
	s7 =	smul.u32 $0x28000, s3  }
0x9: {  	s11 =	sadd.s32 $0x1A00, s5;
	_ =	strace $0x8000004A;
	s9 =	smul.u32 $0x50000, s3  }
0xa: {  	s8 =	sshll.u32 s4, $0xA;
	s26 =	ssub.s32 $0x2, s4;
	s13 =	smul.u32 $0x2710, s3  }
0xb: {  	s4 =	sadd.s32 $0x5BA00, s5;
	s29 =	sshll.u32 s3, $0x6;
	s15 =	smul.u32 $0x4E2, s3  }
0xc: {  	s10 =	sshrl.u32 s26, $0x1;
	s6 =	sadd.s32 s6, s5;
	s7 =	sor.u32 s8, s7  }
0xd: {  	s10 =	ssub.s32 s26, s10;
	s28 =	sshrl.u32 s9, $0x2;
	s30 =	sshrl.u32 s13, $0x3  }
0xe: {  	s7 =	sshrl.u32 s7, $0x3;
	s31 =	sadd.s32 s28, s1;
	s8 =	sadd.s32 $0x4E0, s30  }
0xf: {  	s6 =	sadd.s32 $0xBA00, s6;
	s10 =	smax.u32 s10, $0x1;
	s14 =	sadd.s32 s7, s5  }
0x10: {  	s5 =	sor.u32 $0x1C02, s29;
	s7 =	sadd.s32 s12, s8;
	s8 =	sadd.s32 s11, s8  }
0x11: {  	s11 =	sadd.s32 s15, s11;
	s12 =	sadd.s32 s15, s12;
	s13 =	sshrl.u32 s31, $0x3  }
0x12: {  	s15 =	simm.s32 $0x80;
	s9 =	sadd.s32 $0x5E200, s14;
	s14 =	simm.s32 $0x2  }
.LBB2_1:
0x13: {  	[spmem:s13], [sflag:s5] =	dma.local [hbm:s4], $0x2800  }
0x14: {  	_ =	swait.ge [sflag:s14], $0x2800  }
0x15: {  	[sflag:s14] =	ssyncset.done $0x0  }
0x16: {  	[sflag:s14] =	ssyncadd.s32 $0xFFFFD800  }
0x17: {  	s23 =	sadd.s32 $0x0, s12;
	[bflag:$0x0] =	sbarrier.arrive $0xFFFF  }
0x18: {  	[tilespmem:s2], [sflag:$0x2] =	stream.linear.gather [hbm4b:s23+s2], $0x80, $0x38;
	[tilespmem:$0x18200] =	vst v63  }
0x19: {  	_ =	swait.ge [sflag:s14], $0x80  }
0x1a: {  	[sflag:s14] =	ssyncset.done $0x0  }
0x1b: {  	s31 =	sadd.s32 $0x0, s11;
	[sflag:s14] =	ssyncadd.s32 $0xFFFFFF80  }
0x1c: {  	[tilespmem:s15], [sflag:$0x2] =	stream.linear.gather [hbm4b:s31+s2], $0x80, $0x38;
	[tilespmem:$0x18200] =	vst v63  }
0x1d: {  	_ =	swait.ge [sflag:s14], $0x80  }
0x1e: {  	[sflag:s14] =	ssyncset.done $0x0  }
0x1f: {  	[sflag:s14] =	ssyncadd.s32 $0xFFFFFF80  }
0x20: {  	[tilespmem:s16], [sflag:$0x1] =	stream.indirect.gather [hbm4b:s6+s15], $0x80, s2, s15, $0xb8;
	[tilespmem:$0x18200] =	vst v63  }
0x21: {  	_ =	swait.ge [sflag:s17], $0x4000  }
0x22: {  	[sflag:s17] =	ssyncset.done $0x0  }
0x23: {  	[sflag:s17] =	ssyncadd.s32 $0xFFFFC000  }
0x24: {  	[spmem:s1] =	stream.indirect.scatter.add.f32 [tilespmem:s16], [sflag:$0x2], $0x80, s15, s15, $0xb8;
	[tilespmem:$0x18200] =	vst v63  }
0x25: {  	_ =	swait.ge [sflag:s14], $0x4000  }
0x26: {  	s24 =	simm.s32 $0x20;
	s23 =	simm.s32 $0x10;
	[sflag:s14] =	ssyncset.done $0x0  }
.LBB2_2:
0x27: {  	s25 =	sadd.s32 s23, s12  }
0x28: {  	[sflag:s14] =	ssyncadd.s32 $0xFFFFC000;
	s26 =	smov.u32 s24;
	s28 =	sadd.s32 $0x10, s24  }
0x29: {  	[tilespmem:s2], [sflag:$0x2] =	stream.linear.gather [hbm4b:s25+s2], $0x80, $0x38;
	[tilespmem:$0x18200] =	vst v63  }
0x2a: {  	p0 =	sne.s32 s24, $0x4D0;
	_ =	swait.ge [sflag:s14], $0x80  }
0x2b: {  	[sflag:s14] =	ssyncset.done $0x0  }
0x2c: {  	s24 =	sadd.s32 s23, s11;
	s23 =	smov.u32 s26;
	[sflag:s14] =	ssyncadd.s32 $0xFFFFFF80  }
0x2d: {  	[tilespmem:s15], [sflag:$0x2] =	stream.linear.gather [hbm4b:s24+s2], $0x80, $0x38;
	[tilespmem:$0x18200] =	vst v63  }
0x2e: {  	_ =	swait.ge [sflag:s14], $0x80  }
0x2f: {  	[sflag:s14] =	ssyncset.done $0x0  }
0x30: {  	[sflag:s14] =	ssyncadd.s32 $0xFFFFFF80  }
0x31: {  	[tilespmem:s16], [sflag:$0x1] =	stream.indirect.gather [hbm4b:s6+s15], $0x80, s2, s15, $0xb8;
	[tilespmem:$0x18200] =	vst v63  }
0x32: {  	_ =	swait.ge [sflag:s17], $0x4000  }
.Ltmp0:
0x33: {  	[sflag:s17] =	ssyncset.done $0x0;
	(pc) =	sbr.rel @p0 .LBB2_2-.Ltmp0, $4  }
0x34: {  	[sflag:s17] =	ssyncadd.s32 $0xFFFFC000  }
0x35: {  	[spmem:s1] =	stream.indirect.scatter.add.f32 [tilespmem:s16], [sflag:$0x2], $0x80, s15, s15, $0xb8;
	[tilespmem:$0x18200] =	vst v63  }
0x36: {  	_ =	swait.ge [sflag:s14], $0x4000  }
0x37: {  	s24 =	smov.u32 s28;
	[sflag:s14] =	ssyncset.done $0x0  }
0x38: {  	s24 =	sadd.s32 s23, s12;
	[sflag:s14] =	ssyncadd.s32 $0xFFFFC000  }
0x39: {  	[tilespmem:s2], [sflag:$0x2] =	stream.linear.gather [hbm4b:s24+s2], $0x80, $0x38;
	[tilespmem:$0x18200] =	vst v63  }
0x3a: {  	_ =	swait.ge [sflag:s14], $0x80  }
0x3b: {  	[sflag:s14] =	ssyncset.done $0x0  }
0x3c: {  	s31 =	sadd.s32 s23, s11;
	[sflag:s14] =	ssyncadd.s32 $0xFFFFFF80  }
0x3d: {  	[tilespmem:s15], [sflag:$0x2] =	stream.linear.gather [hbm4b:s31+s2], $0x80, $0x38;
	[tilespmem:$0x18200] =	vst v63  }
0x3e: {  	_ =	swait.ge [sflag:s14], $0x80  }
0x3f: {  	[sflag:s14] =	ssyncset.done $0x0  }
0x40: {  	[sflag:s14] =	ssyncadd.s32 $0xFFFFFF80  }
0x41: {  	[tilespmem:s16], [sflag:$0x1] =	stream.indirect.gather [hbm4b:s6+s15], $0x80, s2, s15, $0xb8;
	[tilespmem:$0x18200] =	vst v63  }
0x42: {  	_ =	swait.ge [sflag:s17], $0x4000  }
0x43: {  	[sflag:s17] =	ssyncset.done $0x0  }
0x44: {  	[sflag:s17] =	ssyncadd.s32 $0xFFFFC000  }
0x45: {  	[spmem:s1] =	stream.indirect.scatter.add.f32 [tilespmem:s16], [sflag:$0x2], $0x80, s15, s15, $0xb8;
	[tilespmem:$0x18200] =	vst v63  }
0x46: {  	_ =	swait.ge [sflag:s14], $0x4000  }
0x47: {  	[sflag:s14] =	ssyncset.done $0x0  }
0x48: {  	[sflag:s14] =	ssyncadd.s32 $0xFFFFC000  }
0x49: {  	[tilespmem:s18], [sflag:$0x2] =	stream.linear.gather [hbm4b:s7+s2], $0x10, $0x38;
	[tilespmem:$0x18200] =	vst v63  }
0x4a: {  	_ =	swait.ge [sflag:s14], $0x10  }
0x4b: {  	[sflag:s14] =	ssyncset.done $0x0  }
0x4c: {  	[sflag:s14] =	ssyncadd.s32 $0xFFFFFFF0  }
0x4d: {  	[tilespmem:s19], [sflag:$0x2] =	stream.linear.gather [hbm4b:s8+s2], $0x10, $0x38;
	[tilespmem:$0x18200] =	vst v63  }
0x4e: {  	_ =	swait.ge [sflag:s14], $0x10  }
0x4f: {  	[sflag:s14] =	ssyncset.done $0x0  }
0x50: {  	[sflag:s14] =	ssyncadd.s32 $0xFFFFFFF0  }
0x51: {  	[tilespmem:s16], [sflag:$0x1] =	stream.indirect.gather [hbm4b:s6+s20], $0x80, s18, s20, $0xb8;
	[tilespmem:$0x18200] =	vst v63  }
0x52: {  	_ =	swait.ge [sflag:s17], $0x800  }
0x53: {  	[sflag:s17] =	ssyncset.done $0x0  }
0x54: {  	[sflag:s17] =	ssyncadd.s32 $0xFFFFF800  }
0x55: {  	[spmem:s1] =	stream.indirect.scatter.add.f32 [tilespmem:s16], [sflag:$0x2], $0x80, s19, s20, $0xb8;
	[tilespmem:$0x18200] =	vst v63  }
0x56: {  	_ =	swait.ge [sflag:s14], $0x800  }
0x57: {  	s22 =	sadd.s32 $0x1, s22;
	[sflag:s14] =	ssyncset.done $0x0  }
0x58: {  	p0 =	sne.s32 s22, s10;
	[sflag:s14] =	ssyncadd.s32 $0xFFFFF800  }
.Ltmp1:
0x59: {  	[bflag:$0x0] =	sbarrier.arrive $0xFFFF;
	(pc) =	sbr.rel @p0 .LBB2_1-.Ltmp1, $4  }
0x5a: {  	[hbm:s9@s18], [sflag:s5] =	dma.strided [spmem:s13@s15], $0x2800, s21, $0x10   }
0x5b: {  	_ =	swait.ge [sflag:s14], $0x2800  }
0x5c: {  	[sflag:s14] =	ssyncset.done $0x0  }
0x5d: {  	[sflag:s14] =	ssyncadd.s32 $0xFFFFD800  }
0x5e: {  	_ =	sfence.sel $0x180000  }
0x5f: {  	[bflag:$0x0] =	sbarrier.arrive $0xFFFF  }
0x60: {  	p0 =	sne.s32 s3, $0x0;
	_ =	strace $0x9000004A  }
0x61: {  	s0 =	sadd.s32 @!p0 $0x100000, s0;
	[bflag:$0x2] =	sbarrier.arrive $0xFFFF  }
0x62: {  	[sflag:s0] =	ssyncadd.tile.s32 @!p0 $0x1;
	_ =	shalt  }
.Lfunc_end2:
_tile_overlayer_lowered:
.L_overlay_start_2:
0x63: {  	(tag) =	ssettag $0x2  }
0x64: {  	s0 =	rddreg [dreg:$0x0];
	s2 =	stileid.u32  }
0x65: {  	s1 =	rddreg [dreg:$0x1];
	p0 =	sne.s32 s2, $0x0  }
0x66: {  	s3 =	rddreg [dreg:$0x2];
	[bflag:$0x3] =	sbarrier.arrive $0xFFFF;
	s2 =	simm.s32 @!p0 $0x1C02  }
0x67: {  	[timem:s3], [sflag:s2] =	dma.local @!p0 [hbm:s0], s1  }
0x68: {  	s0 =	simm.s32 @!p0 $0x2  }
0x69: {  	_ =	swait.ge @!p0 [sflag:s0], s1  }
0x6a: {  	s1 =	ssub.s32 @!p0 $0x0, s1;
	[sflag:s0] =	ssyncset.done @!p0 $0x0  }
0x6b: {  	[sflag:s0] =	ssyncadd.s32 @!p0 s1  }
0x6c: {  	[bflag:$0x3] =	sbarrier.arrive $0xFFFF  }
0x6d: {  	_ =	shalt  }

// kernel: kernel.15.cloned.1.call-start
scs
__scs_entry_jumppad:
0x0: {  	(pc) =	sbr.rel $0x88, $3  }
0x1: {  	(tag) =	ssettag $0x0;
	lr =	simm.s32 $0x1  }
0x2: {  	[smem:$0x3F94] =	sst lr;
	_ =	strace $0xD0000000  }
0x3: {  	_ = 	snop  }
0x4: {  	_ = 	snop  }
0x5: {  	_ = 	snop  }
0x6: {  	_ = 	snop  }
0x7: {  	_ = 	snop  }
__scs_overlays_trampoline_lowered:
0x8: {  	[smem:$0x3FA3] =	sst s0  }
0x9: {  	[smem:$0x3FA4] =	sst s1  }
0xa: {  	[smem:$0x3FA5] =	sst s2  }
0xb: {  	[smem:$0x3FA6] =	sst s3  }
0xc: {  	[smem:$0x3FA7] =	sst s4  }
0xd: {  	[smem:$0x3FA8] =	sst s5  }
0xe: {  	[smem:$0x3FA9] =	sst s6  }
0xf: {  	[smem:$0x3FAA] =	sst s7  }
0x10: {  	[smem:$0x3FAB] =	sst s8  }
0x11: {  	[smem:$0x3FAC] =	sst s9;
	s0 =	simm.s32 @!p0 $0x0  }
0x12: {  	s1 =	sld [smem:$0x3F92];
	s0 =	simm.s32 @p0 $0x1  }
0x13: {  	[smem:$0x3FAD] =	sst s0;
	s0 =	simm.s32 @!p1 $0x0  }
0x14: {  	s2 =	sld [smem:$0x3F91];
	s0 =	simm.s32 @p1 $0x1  }
0x15: {  	[smem:$0x3FAE] =	sst s0;
	s0 =	simm.s32 @!p2 $0x0  }
0x16: {  	s3 =	sld [smem:$0x3FDB];
	s0 =	simm.s32 @p2 $0x1  }
0x17: {  	s4 =	simm.s32 $0x1BF5;
	[smem:$0x3FB0] =	sst s0  }
0x18: {  	s0 =	sld [smem:$0x3F93];
	_ =	swait.ge [sflag:s4], $0x0  }
0x19: {  	s7 =	sld [smem:$0x3F94]  }
0x1a: {  	s8 =	sadd.s32 $0xFFFFE003, lr  }
0x1b: {  	s9 =	sadd.s32 $0xFFFFFEF7, lr;
	s5 =	simm.s32 $0xFFFFFFFF;
	p2 =	slt.u32 s8, $0xFFFFF086  }
0x1c: {  	p1 =	slt.u32 s9, $0xF7A;
	s5 =	simm.s32 @!p2 $0x0  }
0x1d: {  	s5 =	simm.s32 @p1 $0x1;
	p0 =	seq.s32 s7, s2  }
0x1e: {  	s7 =	smul.u32 @!p0 $0xF7A, s2;
	p2 =	seq.s32 @!p0 s5, $0x0  }
0x1f: {  	s9 =	smul.u32 $0xF7A, s1;
	s8 =	simm.s32 @!p0 $0x1BF5;
	p2 =	por !p2, p0  }
0x20: {  	[sflag:s8] =	ssyncset.s32 @!p0 $0xFFFFF086;
	s6 =	sadd.s32 @!p0 s3, s7;
	s7 =	simm.s32 @!p0 $0x108  }
0x21: {  	s3 =	sadd.s32 s3, s9;
	s6 =	sadd.s32 @!p0 $0x88, s6;
	s7 =	simm.s32 @p2 $0x1082  }
0x22: {  	[simem:s7], [sflag:s8] =	dma.local @!p0 [hbm:s6], $0xF7A  }
0x23: {  	s9 =	sor.u32 $0xD0000000, s2;
	s6 =	simm.s32 $0x108;
	_ =	swait.ge @!p0 [sflag:s8], $0x0  }
0x24: {  	s3 =	sadd.s32 $0x88, s3;
	s6 =	simm.s32 @!p1 $0x1082;
	[sflag:s4] =	ssyncset.s32 $0xFFFFF086  }
0x25: {  	[simem:s6], [sflag:s4] =	dma.local [hbm:s3], $0xF7A  }
0x26: {  	[smem:$0x3F94] =	sst s1;
	(tag) =	ssettag s2;
	_ =	strace s9  }
0x27: {  	s1 =	sld [smem:$0x3FA4]  }
0x28: {  	s2 =	sld [smem:$0x3FA5]  }
0x29: {  	s4 =	sld [smem:$0x3FA7]  }
0x2a: {  	p0 =	seq.s32 s5, $0x0;
	s5 =	sld [smem:$0x3FA8]  }
0x2b: {  	s6 =	sld [smem:$0x3FA9]  }
0x2c: {  	s7 =	sld [smem:$0x3FAA]  }
0x2d: {  	s3 =	simm.s32 $0x108;
	s8 =	sld [smem:$0x3FAB]  }
0x2e: {  	s3 =	simm.s32 @!p0 $0x1082;
	s9 =	sld [smem:$0x3FAC]  }
0x2f: {  	lr =	sadd.s32 s0, s3;
	s0 =	sld [smem:$0x3FA3]  }
0x30: {  	s3 =	sld [smem:$0x3FA6]  }
0x31: {  	[smem:$0x3FAF] =	sst s10  }
0x32: {  	s10 =	sld [smem:$0x3FAD];
	_ =	sdelay $0x3  }
0x33: {  	p0 =	seq.s32 s10, $0x1;
	s10 =	sld [smem:$0x3FAF];
	_ =	sdelay $0x3  }
0x34: {  	[smem:$0x3FAF] =	sst s10  }
0x35: {  	s10 =	sld [smem:$0x3FAE];
	_ =	sdelay $0x3  }
0x36: {  	p1 =	seq.s32 s10, $0x1;
	s10 =	sld [smem:$0x3FAF];
	_ =	sdelay $0x3  }
0x37: {  	[smem:$0x3FAF] =	sst s10  }
0x38: {  	s10 =	sld [smem:$0x3FB0]  }
0x39: {  	_ = 	snop;
	(pc) =	sbr.ind lr, $3  }
0x3a: {  	_ = 	snop  }
0x3b: {  	_ = 	snop  }
0x3c: {  	p2 =	seq.s32 s10, $0x1;
	s10 =	sld [smem:$0x3FAF]  }
0x3d: {  	_ =	shalt  }
0x3e: {  	_ =	shalt  }
0x3f: {  	_ =	shalt  }
0x40: {  	_ =	shalt  }
0x41: {  	_ =	shalt  }
0x42: {  	_ =	shalt  }
0x43: {  	_ =	shalt  }
0x44: {  	_ =	shalt  }
0x45: {  	_ =	shalt  }
0x46: {  	_ =	shalt  }
0x47: {  	_ =	shalt  }
0x48: {  	_ =	shalt  }
0x49: {  	_ =	shalt  }
0x4a: {  	_ =	shalt  }
0x4b: {  	_ =	shalt  }
0x4c: {  	_ =	shalt  }
0x4d: {  	_ =	shalt  }
0x4e: {  	_ =	shalt  }
0x4f: {  	_ =	shalt  }
0x50: {  	_ =	shalt  }
0x51: {  	_ =	shalt  }
0x52: {  	_ =	shalt  }
0x53: {  	_ =	shalt  }
0x54: {  	_ =	shalt  }
0x55: {  	_ =	shalt  }
0x56: {  	_ =	shalt  }
0x57: {  	_ =	shalt  }
0x58: {  	_ =	shalt  }
0x59: {  	_ =	shalt  }
0x5a: {  	_ =	shalt  }
0x5b: {  	_ =	shalt  }
0x5c: {  	_ =	shalt  }
0x5d: {  	_ =	shalt  }
0x5e: {  	_ =	shalt  }
0x5f: {  	_ =	shalt  }
0x60: {  	_ =	shalt  }
0x61: {  	_ =	shalt  }
0x62: {  	_ =	shalt  }
0x63: {  	_ =	shalt  }
0x64: {  	_ =	shalt  }
0x65: {  	_ =	shalt  }
0x66: {  	_ =	shalt  }
0x67: {  	_ =	shalt  }
0x68: {  	_ =	shalt  }
0x69: {  	_ =	shalt  }
0x6a: {  	_ =	shalt  }
0x6b: {  	_ =	shalt  }
0x6c: {  	_ =	shalt  }
0x6d: {  	_ =	shalt  }
0x6e: {  	_ =	shalt  }
0x6f: {  	_ =	shalt  }
0x70: {  	_ =	shalt  }
0x71: {  	_ =	shalt  }
0x72: {  	_ =	shalt  }
0x73: {  	_ =	shalt  }
0x74: {  	_ =	shalt  }
0x75: {  	_ =	shalt  }
0x76: {  	_ =	shalt  }
0x77: {  	_ =	shalt  }
0x78: {  	_ =	shalt  }
0x79: {  	_ =	shalt  }
0x7a: {  	_ =	shalt  }
0x7b: {  	_ =	shalt  }
0x7c: {  	_ =	shalt  }
0x7d: {  	_ =	shalt  }
0x7e: {  	_ =	shalt  }
0x7f: {  	_ =	shalt  }
0x80: {  	_ =	shalt  }
0x81: {  	_ =	shalt  }
0x82: {  	_ =	shalt  }
0x83: {  	_ =	shalt  }
0x84: {  	_ =	shalt  }
0x85: {  	_ =	shalt  }
0x86: {  	_ =	shalt  }
0x87: {  	_ =	shalt  }
.Lfunc_end0:
.L_simem_size_0:
called_computation.2_lowered:
.L_overlay_start_0:
0x88: {  	s2 =	sld [smem:$0x3FD9]  }
0x89: {  	s3 =	sld [smem:$0x3FFE];
	_ =	sdelay $0x1  }
0x8a: {  	s1 =	srdreg.scid  }
0x8b: {  	s0 =	sand.u32 $0x1, s1  }
0x8c: {  	s16 =	sshll.u32 s0, $0xA;
	s2 =	sadd.s32 s3, s2  }
0x8d: {  	s2 =	sadd.s32 s2, s16  }
0x8e: {  	[smem:$0x3FBB] =	sst s2  }
0x8f: {  	_ = 	snop  }
0x90: {  	(tm) =	ssettm $0x1  }
0x91: {  	s17 =	sld [smem:$0x3FFB];
	_ =	sdelay $0x3  }
0x92: {  	_ =	strace s17  }
0x93: {  	s2 =	sld [smem:$0x3FFC];
	_ =	sdelay $0x3  }
0x94: {  	_ =	strace s2  }
0x95: {  	s2 =	sld [smem:$0x3FFD];
	_ =	sdelay $0x3  }
0x96: {  	_ =	strace s2  }
0x97: {  	_ =	strace $0x8FFFFFFF  }
0x98: {  	s18 =	sld [smem:$0x3FDB];
	_ =	sdelay $0x1  }
0x99: {  	s19 =	simm.s32 $_scs_section_size  }
0x9a: {  	s4 =	simm.s32 $_size__tile_overlayer_lowered;
	s5 =	simm.s32 $_tile_overlayer_lowered  }
0x9b: {  	s22 =	simm.s32 $0x1BFF;
	s21 =	sshll.u32 s5, $0x1;
	s2 =	sadd.s32 s19, s18  }
0x9c: {  	s6 =	simm.s32 $0x0;
	s20 =	sshll.u32 s4, $0x1;
	s4 =	sadd.s32 s21, s2  }
0x9d: {  	[timem:s6], [sflag:s22] =	dma.local [hbm:s4], s20  }
0x9e: {  	_ =	swait.ge [sflag:s22], s20  }
0x9f: {  	s3 =	ssub.s32 $0x0, s20;
	[sflag:s22] =	ssyncset.done $0x0  }
0xa0: {  	[sflag:s22] =	ssyncadd.s32 s3;
	_ =	sdelay $0x1  }
0xa1: {  	s23 =	simm.s32 $0x1B8B  }
0xa2: {  	_ =	swait.ge [sflag:s23], $0x1  }
0xa3: {  	[sflag:s23] =	ssyncset.done $0x0  }
0xa4: {  	s25 =	simm.s32 $0x1B8E;
	s24 =	sld [smem:$0x3FFE];
	[sflag:s23] =	ssyncadd.s32 $0xFFFFFFFF  }
0xa5: {  	s26 =	simm.s32 $execute0_lowered;
	[smem:$0x3FD2] =	sst s25  }
0xa6: {  	s4 =	sshll.u32 s26, $0x1;
	_ =	strace $0x8000004C;
	[dreg:$0x1] =	wrdreg $0xFFFFFFFF  }
0xa7: {  	s28 =	simm.s32 $_size_execute0_lowered;
	s2 =	sadd.s32 s2, s4;
	[dreg:$0x0] =	wrdreg $0x0  }
0xa8: {  	s4 =	sshll.u32 s28, $0x1;
	[dreg:$0x2] =	wrdreg s2  }
0xa9: {  	[dreg:$0x3] =	wrdreg s4  }
0xaa: {  	[dreg:$0x4] =	wrdreg $0xC0  }
0xab: {  	_ =	task [dreg:s6], $0x5FFFF  }
0xac: {  	[dreg:$0x1] =	wrdreg $0xFFFFFFFF  }
0xad: {  	[dreg:$0x0] =	wrdreg $0x60  }
0xae: {  	[dreg:$0x2] =	wrdreg s24  }
0xaf: {  	[dreg:$0x3] =	wrdreg $0x42000  }
0xb0: {  	[dreg:$0x4] =	wrdreg $0x9  }
0xb1: {  	_ =	task.clear_ibuf [dreg:s6], $0x5FFFF;
	_ =	strace $0x9000004C  }
0xb2: {  	s29 =	simm.s32 $0x9;
	_ =	strace $0x8000004E  }
0xb3: {  	_ =	swait.ge [sflag:s29], $0x1  }
0xb4: {  	[sflag:s29] =	ssyncadd.s32 $0xFFFFFFFF  }
0xb5: {  	_ =	strace $0x9000004E  }
0xb6: {  	_ =	sfence  }
0xb7: {  	s30 =	sld [smem:$0x0];
	_ =	sdelay $0x2  }
0xb8: {  	s31 =	sshll.u32 s1, $0xD;
	s1 =	sshrl.u32 s1, $0x2  }
0xb9: {  	s3 =	sand.u32 $0x4000, s31;
	s1 =	sadd.s32 s1, s30  }
0xba: {  	s0 =	sor.u32 s3, s0;
	s1 =	sshll.u32 s1, $0x11  }
0xbb: {  	s0 =	sor.u32 s1, s0  }
0xbc: {  	s0 =	sadd.s32 $0x8F2B, s0  }
0xbd: {  	[sflag:s0] =	ssyncadd.remote.s32 $0x1  }
0xbe: {  	_ =	sfence.sel $0xFFFF  }
0xbf: {  	[dreg:$0x0] =	wrdreg $0xFFFFFFFF;
	(pc) =	sbr.abs _section_cstart, $3  }
0xc0: {  	[dreg:$0x1] =	wrdreg $0xFFFFFFFF  }
0xc1: {  	_ =	task.clear_ibuf [dreg:s6], $0x2FFFF;
	_ =	strace $0x9FFFFFFF  }
0xc2: {  	(tm) =	ssettm $0x7FFFFFFF  }
0xc3: {  	_ =	shalt  }
tec
execute0_lowered:
.L_overlay_start_1:
0x0: {  	(tag) =	ssettag $0x1  }
0x1: {  	s5 =	rddreg [dreg:$0x0]  }
0x2: {  	s1 =	rddreg [dreg:$0x1]  }
0x3: {  	s0 =	rddreg [dreg:$0x2]  }
0x4: {  	s2 =	simm.s32 $0x0;
	s3 =	srdreg.scid;
	s16 =	simm.s32 $0x200  }
0x5: {  	s17 =	simm.s32 $0x1;
	s18 =	simm.s32 $0x100;
	s19 =	simm.s32 $0x180  }
0x6: {  	s20 =	simm.s32 $0x10;
	s21 =	simm.s32 $0x8;
	s4 =	sand.u32 $0x1, s3  }
0x7: {  	s22 =	simm.s32 $0x0;
	s3 =	stileid.u32;
	s6 =	smul.u32 $0x28000, s4  }
0x8: {  	[smem:$0x7FF] =	sst s2;
	s12 =	sadd.s32 $0x6A00, s5;
	s7 =	smul.u32 $0x28000, s3  }
0x9: {  	s11 =	sadd.s32 $0x1A00, s5;
	_ =	strace $0x8000004D;
	s9 =	smul.u32 $0x50000, s3  }
0xa: {  	s8 =	sshll.u32 s4, $0xA;
	s26 =	ssub.s32 $0x2, s4;
	s13 =	smul.u32 $0x2710, s3  }
0xb: {  	s4 =	sadd.s32 $0x5BA00, s5;
	s29 =	sshll.u32 s3, $0x6;
	s15 =	smul.u32 $0x4E2, s3  }
0xc: {  	s10 =	sshrl.u32 s26, $0x1;
	s6 =	sadd.s32 s6, s5;
	s7 =	sor.u32 s8, s7  }
0xd: {  	s10 =	ssub.s32 s26, s10;
	s28 =	sshrl.u32 s9, $0x2;
	s30 =	sshrl.u32 s13, $0x3  }
0xe: {  	s7 =	sshrl.u32 s7, $0x3;
	s31 =	sadd.s32 s28, s1;
	s8 =	sadd.s32 $0x4E0, s30  }
0xf: {  	s6 =	sadd.s32 $0xBA00, s6;
	s10 =	smax.u32 s10, $0x1;
	s14 =	sadd.s32 s7, s5  }
0x10: {  	s5 =	sor.u32 $0x1C02, s29;
	s7 =	sadd.s32 s12, s8;
	s8 =	sadd.s32 s11, s8  }
0x11: {  	s11 =	sadd.s32 s15, s11;
	s12 =	sadd.s32 s15, s12;
	s13 =	sshrl.u32 s31, $0x3  }
0x12: {  	s15 =	simm.s32 $0x80;
	s9 =	sadd.s32 $0x5E200, s14;
	s14 =	simm.s32 $0x2  }
.LBB2_1:
0x13: {  	[spmem:s13], [sflag:s5] =	dma.local [hbm:s4], $0x2800  }
0x14: {  	_ =	swait.ge [sflag:s14], $0x2800  }
0x15: {  	[sflag:s14] =	ssyncset.done $0x0  }
0x16: {  	[sflag:s14] =	ssyncadd.s32 $0xFFFFD800  }
0x17: {  	s23 =	sadd.s32 $0x0, s12;
	[bflag:$0x0] =	sbarrier.arrive $0xFFFF  }
0x18: {  	[tilespmem:s2], [sflag:$0x2] =	stream.linear.gather [hbm4b:s23+s2], $0x80, $0x38;
	[tilespmem:$0x18200] =	vst v63  }
0x19: {  	_ =	swait.ge [sflag:s14], $0x80  }
0x1a: {  	[sflag:s14] =	ssyncset.done $0x0  }
0x1b: {  	s31 =	sadd.s32 $0x0, s11;
	[sflag:s14] =	ssyncadd.s32 $0xFFFFFF80  }
0x1c: {  	[tilespmem:s15], [sflag:$0x2] =	stream.linear.gather [hbm4b:s31+s2], $0x80, $0x38;
	[tilespmem:$0x18200] =	vst v63  }
0x1d: {  	_ =	swait.ge [sflag:s14], $0x80  }
0x1e: {  	[sflag:s14] =	ssyncset.done $0x0  }
0x1f: {  	[sflag:s14] =	ssyncadd.s32 $0xFFFFFF80  }
0x20: {  	[tilespmem:s16], [sflag:$0x1] =	stream.indirect.gather [hbm4b:s6+s15], $0x80, s2, s15, $0xb8;
	[tilespmem:$0x18200] =	vst v63  }
0x21: {  	_ =	swait.ge [sflag:s17], $0x4000  }
0x22: {  	[sflag:s17] =	ssyncset.done $0x0  }
0x23: {  	[sflag:s17] =	ssyncadd.s32 $0xFFFFC000  }
0x24: {  	[spmem:s1] =	stream.indirect.scatter.add.f32 [tilespmem:s16], [sflag:$0x2], $0x80, s15, s15, $0xb8;
	[tilespmem:$0x18200] =	vst v63  }
0x25: {  	_ =	swait.ge [sflag:s14], $0x4000  }
0x26: {  	s24 =	simm.s32 $0x20;
	s23 =	simm.s32 $0x10;
	[sflag:s14] =	ssyncset.done $0x0  }
.LBB2_2:
0x27: {  	s25 =	sadd.s32 s23, s12  }
0x28: {  	[sflag:s14] =	ssyncadd.s32 $0xFFFFC000;
	s26 =	smov.u32 s24;
	s28 =	sadd.s32 $0x10, s24  }
0x29: {  	[tilespmem:s2], [sflag:$0x2] =	stream.linear.gather [hbm4b:s25+s2], $0x80, $0x38;
	[tilespmem:$0x18200] =	vst v63  }
0x2a: {  	p0 =	sne.s32 s24, $0x4D0;
	_ =	swait.ge [sflag:s14], $0x80  }
0x2b: {  	[sflag:s14] =	ssyncset.done $0x0  }
0x2c: {  	s24 =	sadd.s32 s23, s11;
	s23 =	smov.u32 s26;
	[sflag:s14] =	ssyncadd.s32 $0xFFFFFF80  }
0x2d: {  	[tilespmem:s15], [sflag:$0x2] =	stream.linear.gather [hbm4b:s24+s2], $0x80, $0x38;
	[tilespmem:$0x18200] =	vst v63  }
0x2e: {  	_ =	swait.ge [sflag:s14], $0x80  }
0x2f: {  	[sflag:s14] =	ssyncset.done $0x0  }
0x30: {  	[sflag:s14] =	ssyncadd.s32 $0xFFFFFF80  }
0x31: {  	[tilespmem:s16], [sflag:$0x1] =	stream.indirect.gather [hbm4b:s6+s15], $0x80, s2, s15, $0xb8;
	[tilespmem:$0x18200] =	vst v63  }
0x32: {  	_ =	swait.ge [sflag:s17], $0x4000  }
.Ltmp0:
0x33: {  	[sflag:s17] =	ssyncset.done $0x0;
	(pc) =	sbr.rel @p0 .LBB2_2-.Ltmp0, $4  }
0x34: {  	[sflag:s17] =	ssyncadd.s32 $0xFFFFC000  }
0x35: {  	[spmem:s1] =	stream.indirect.scatter.add.f32 [tilespmem:s16], [sflag:$0x2], $0x80, s15, s15, $0xb8;
	[tilespmem:$0x18200] =	vst v63  }
0x36: {  	_ =	swait.ge [sflag:s14], $0x4000  }
0x37: {  	s24 =	smov.u32 s28;
	[sflag:s14] =	ssyncset.done $0x0  }
0x38: {  	s24 =	sadd.s32 s23, s12;
	[sflag:s14] =	ssyncadd.s32 $0xFFFFC000  }
0x39: {  	[tilespmem:s2], [sflag:$0x2] =	stream.linear.gather [hbm4b:s24+s2], $0x80, $0x38;
	[tilespmem:$0x18200] =	vst v63  }
0x3a: {  	_ =	swait.ge [sflag:s14], $0x80  }
0x3b: {  	[sflag:s14] =	ssyncset.done $0x0  }
0x3c: {  	s31 =	sadd.s32 s23, s11;
	[sflag:s14] =	ssyncadd.s32 $0xFFFFFF80  }
0x3d: {  	[tilespmem:s15], [sflag:$0x2] =	stream.linear.gather [hbm4b:s31+s2], $0x80, $0x38;
	[tilespmem:$0x18200] =	vst v63  }
0x3e: {  	_ =	swait.ge [sflag:s14], $0x80  }
0x3f: {  	[sflag:s14] =	ssyncset.done $0x0  }
0x40: {  	[sflag:s14] =	ssyncadd.s32 $0xFFFFFF80  }
0x41: {  	[tilespmem:s16], [sflag:$0x1] =	stream.indirect.gather [hbm4b:s6+s15], $0x80, s2, s15, $0xb8;
	[tilespmem:$0x18200] =	vst v63  }
0x42: {  	_ =	swait.ge [sflag:s17], $0x4000  }
0x43: {  	[sflag:s17] =	ssyncset.done $0x0  }
0x44: {  	[sflag:s17] =	ssyncadd.s32 $0xFFFFC000  }
0x45: {  	[spmem:s1] =	stream.indirect.scatter.add.f32 [tilespmem:s16], [sflag:$0x2], $0x80, s15, s15, $0xb8;
	[tilespmem:$0x18200] =	vst v63  }
0x46: {  	_ =	swait.ge [sflag:s14], $0x4000  }
0x47: {  	[sflag:s14] =	ssyncset.done $0x0  }
0x48: {  	[sflag:s14] =	ssyncadd.s32 $0xFFFFC000  }
0x49: {  	[tilespmem:s18], [sflag:$0x2] =	stream.linear.gather [hbm4b:s7+s2], $0x10, $0x38;
	[tilespmem:$0x18200] =	vst v63  }
0x4a: {  	_ =	swait.ge [sflag:s14], $0x10  }
0x4b: {  	[sflag:s14] =	ssyncset.done $0x0  }
0x4c: {  	[sflag:s14] =	ssyncadd.s32 $0xFFFFFFF0  }
0x4d: {  	[tilespmem:s19], [sflag:$0x2] =	stream.linear.gather [hbm4b:s8+s2], $0x10, $0x38;
	[tilespmem:$0x18200] =	vst v63  }
0x4e: {  	_ =	swait.ge [sflag:s14], $0x10  }
0x4f: {  	[sflag:s14] =	ssyncset.done $0x0  }
0x50: {  	[sflag:s14] =	ssyncadd.s32 $0xFFFFFFF0  }
0x51: {  	[tilespmem:s16], [sflag:$0x1] =	stream.indirect.gather [hbm4b:s6+s20], $0x80, s18, s20, $0xb8;
	[tilespmem:$0x18200] =	vst v63  }
0x52: {  	_ =	swait.ge [sflag:s17], $0x800  }
0x53: {  	[sflag:s17] =	ssyncset.done $0x0  }
0x54: {  	[sflag:s17] =	ssyncadd.s32 $0xFFFFF800  }
0x55: {  	[spmem:s1] =	stream.indirect.scatter.add.f32 [tilespmem:s16], [sflag:$0x2], $0x80, s19, s20, $0xb8;
	[tilespmem:$0x18200] =	vst v63  }
0x56: {  	_ =	swait.ge [sflag:s14], $0x800  }
0x57: {  	s22 =	sadd.s32 $0x1, s22;
	[sflag:s14] =	ssyncset.done $0x0  }
0x58: {  	p0 =	sne.s32 s22, s10;
	[sflag:s14] =	ssyncadd.s32 $0xFFFFF800  }
.Ltmp1:
0x59: {  	[bflag:$0x0] =	sbarrier.arrive $0xFFFF;
	(pc) =	sbr.rel @p0 .LBB2_1-.Ltmp1, $4  }
0x5a: {  	[hbm:s9@s18], [sflag:s5] =	dma.strided [spmem:s13@s15], $0x2800, s21, $0x10   }
0x5b: {  	_ =	swait.ge [sflag:s14], $0x2800  }
0x5c: {  	[sflag:s14] =	ssyncset.done $0x0  }
0x5d: {  	[sflag:s14] =	ssyncadd.s32 $0xFFFFD800  }
0x5e: {  	_ =	sfence.sel $0x180000  }
0x5f: {  	[bflag:$0x0] =	sbarrier.arrive $0xFFFF  }
0x60: {  	p0 =	sne.s32 s3, $0x0;
	_ =	strace $0x9000004D  }
0x61: {  	s0 =	sadd.s32 @!p0 $0x100000, s0;
	[bflag:$0x2] =	sbarrier.arrive $0xFFFF  }
0x62: {  	[sflag:s0] =	ssyncadd.tile.s32 @!p0 $0x1;
	_ =	shalt  }
.Lfunc_end2:
_tile_overlayer_lowered:
.L_overlay_start_2:
0x63: {  	(tag) =	ssettag $0x2  }
0x64: {  	s0 =	rddreg [dreg:$0x0];
	s2 =	stileid.u32  }
0x65: {  	s1 =	rddreg [dreg:$0x1];
	p0 =	sne.s32 s2, $0x0  }
0x66: {  	s3 =	rddreg [dreg:$0x2];
	[bflag:$0x3] =	sbarrier.arrive $0xFFFF;
	s2 =	simm.s32 @!p0 $0x1C02  }
0x67: {  	[timem:s3], [sflag:s2] =	dma.local @!p0 [hbm:s0], s1  }
0x68: {  	s0 =	simm.s32 @!p0 $0x2  }
0x69: {  	_ =	swait.ge @!p0 [sflag:s0], s1  }
0x6a: {  	s1 =	ssub.s32 @!p0 $0x0, s1;
	[sflag:s0] =	ssyncset.done @!p0 $0x0  }
0x6b: {  	[sflag:s0] =	ssyncadd.s32 @!p0 s1  }
0x6c: {  	[bflag:$0x3] =	sbarrier.arrive $0xFFFF  }
0x6d: {  	_ =	shalt  }

// kernel: kernel.9.cloned.1.call-start
scs
__scs_entry_jumppad:
0x0: {  	(pc) =	sbr.rel $0x88, $3  }
0x1: {  	(tag) =	ssettag $0x0;
	lr =	simm.s32 $0x1  }
0x2: {  	[smem:$0x3F94] =	sst lr;
	_ =	strace $0xD0000000  }
0x3: {  	_ = 	snop  }
0x4: {  	_ = 	snop  }
0x5: {  	_ = 	snop  }
0x6: {  	_ = 	snop  }
0x7: {  	_ = 	snop  }
__scs_overlays_trampoline_lowered:
0x8: {  	[smem:$0x3FA3] =	sst s0  }
0x9: {  	[smem:$0x3FA4] =	sst s1  }
0xa: {  	[smem:$0x3FA5] =	sst s2  }
0xb: {  	[smem:$0x3FA6] =	sst s3  }
0xc: {  	[smem:$0x3FA7] =	sst s4  }
0xd: {  	[smem:$0x3FA8] =	sst s5  }
0xe: {  	[smem:$0x3FA9] =	sst s6  }
0xf: {  	[smem:$0x3FAA] =	sst s7  }
0x10: {  	[smem:$0x3FAB] =	sst s8  }
0x11: {  	[smem:$0x3FAC] =	sst s9;
	s0 =	simm.s32 @!p0 $0x0  }
0x12: {  	s1 =	sld [smem:$0x3F92];
	s0 =	simm.s32 @p0 $0x1  }
0x13: {  	[smem:$0x3FAD] =	sst s0;
	s0 =	simm.s32 @!p1 $0x0  }
0x14: {  	s2 =	sld [smem:$0x3F91];
	s0 =	simm.s32 @p1 $0x1  }
0x15: {  	[smem:$0x3FAE] =	sst s0;
	s0 =	simm.s32 @!p2 $0x0  }
0x16: {  	s3 =	sld [smem:$0x3FDB];
	s0 =	simm.s32 @p2 $0x1  }
0x17: {  	s4 =	simm.s32 $0x1BF5;
	[smem:$0x3FB0] =	sst s0  }
0x18: {  	s0 =	sld [smem:$0x3F93];
	_ =	swait.ge [sflag:s4], $0x0  }
0x19: {  	s7 =	sld [smem:$0x3F94]  }
0x1a: {  	s8 =	sadd.s32 $0xFFFFE003, lr  }
0x1b: {  	s9 =	sadd.s32 $0xFFFFFEF7, lr;
	s5 =	simm.s32 $0xFFFFFFFF;
	p2 =	slt.u32 s8, $0xFFFFF086  }
0x1c: {  	p1 =	slt.u32 s9, $0xF7A;
	s5 =	simm.s32 @!p2 $0x0  }
0x1d: {  	s5 =	simm.s32 @p1 $0x1;
	p0 =	seq.s32 s7, s2  }
0x1e: {  	s7 =	smul.u32 @!p0 $0xF7A, s2;
	p2 =	seq.s32 @!p0 s5, $0x0  }
0x1f: {  	s9 =	smul.u32 $0xF7A, s1;
	s8 =	simm.s32 @!p0 $0x1BF5;
	p2 =	por !p2, p0  }
0x20: {  	[sflag:s8] =	ssyncset.s32 @!p0 $0xFFFFF086;
	s6 =	sadd.s32 @!p0 s3, s7;
	s7 =	simm.s32 @!p0 $0x108  }
0x21: {  	s3 =	sadd.s32 s3, s9;
	s6 =	sadd.s32 @!p0 $0x88, s6;
	s7 =	simm.s32 @p2 $0x1082  }
0x22: {  	[simem:s7], [sflag:s8] =	dma.local @!p0 [hbm:s6], $0xF7A  }
0x23: {  	s9 =	sor.u32 $0xD0000000, s2;
	s6 =	simm.s32 $0x108;
	_ =	swait.ge @!p0 [sflag:s8], $0x0  }
0x24: {  	s3 =	sadd.s32 $0x88, s3;
	s6 =	simm.s32 @!p1 $0x1082;
	[sflag:s4] =	ssyncset.s32 $0xFFFFF086  }
0x25: {  	[simem:s6], [sflag:s4] =	dma.local [hbm:s3], $0xF7A  }
0x26: {  	[smem:$0x3F94] =	sst s1;
	(tag) =	ssettag s2;
	_ =	strace s9  }
0x27: {  	s1 =	sld [smem:$0x3FA4]  }
0x28: {  	s2 =	sld [smem:$0x3FA5]  }
0x29: {  	s4 =	sld [smem:$0x3FA7]  }
0x2a: {  	p0 =	seq.s32 s5, $0x0;
	s5 =	sld [smem:$0x3FA8]  }
0x2b: {  	s6 =	sld [smem:$0x3FA9]  }
0x2c: {  	s7 =	sld [smem:$0x3FAA]  }
0x2d: {  	s3 =	simm.s32 $0x108;
	s8 =	sld [smem:$0x3FAB]  }
0x2e: {  	s3 =	simm.s32 @!p0 $0x1082;
	s9 =	sld [smem:$0x3FAC]  }
0x2f: {  	lr =	sadd.s32 s0, s3;
	s0 =	sld [smem:$0x3FA3]  }
0x30: {  	s3 =	sld [smem:$0x3FA6]  }
0x31: {  	[smem:$0x3FAF] =	sst s10  }
0x32: {  	s10 =	sld [smem:$0x3FAD];
	_ =	sdelay $0x3  }
0x33: {  	p0 =	seq.s32 s10, $0x1;
	s10 =	sld [smem:$0x3FAF];
	_ =	sdelay $0x3  }
0x34: {  	[smem:$0x3FAF] =	sst s10  }
0x35: {  	s10 =	sld [smem:$0x3FAE];
	_ =	sdelay $0x3  }
0x36: {  	p1 =	seq.s32 s10, $0x1;
	s10 =	sld [smem:$0x3FAF];
	_ =	sdelay $0x3  }
0x37: {  	[smem:$0x3FAF] =	sst s10  }
0x38: {  	s10 =	sld [smem:$0x3FB0]  }
0x39: {  	_ = 	snop;
	(pc) =	sbr.ind lr, $3  }
0x3a: {  	_ = 	snop  }
0x3b: {  	_ = 	snop  }
0x3c: {  	p2 =	seq.s32 s10, $0x1;
	s10 =	sld [smem:$0x3FAF]  }
0x3d: {  	_ =	shalt  }
0x3e: {  	_ =	shalt  }
0x3f: {  	_ =	shalt  }
0x40: {  	_ =	shalt  }
0x41: {  	_ =	shalt  }
0x42: {  	_ =	shalt  }
0x43: {  	_ =	shalt  }
0x44: {  	_ =	shalt  }
0x45: {  	_ =	shalt  }
0x46: {  	_ =	shalt  }
0x47: {  	_ =	shalt  }
0x48: {  	_ =	shalt  }
0x49: {  	_ =	shalt  }
0x4a: {  	_ =	shalt  }
0x4b: {  	_ =	shalt  }
0x4c: {  	_ =	shalt  }
0x4d: {  	_ =	shalt  }
0x4e: {  	_ =	shalt  }
0x4f: {  	_ =	shalt  }
0x50: {  	_ =	shalt  }
0x51: {  	_ =	shalt  }
0x52: {  	_ =	shalt  }
0x53: {  	_ =	shalt  }
0x54: {  	_ =	shalt  }
0x55: {  	_ =	shalt  }
0x56: {  	_ =	shalt  }
0x57: {  	_ =	shalt  }
0x58: {  	_ =	shalt  }
0x59: {  	_ =	shalt  }
0x5a: {  	_ =	shalt  }
0x5b: {  	_ =	shalt  }
0x5c: {  	_ =	shalt  }
0x5d: {  	_ =	shalt  }
0x5e: {  	_ =	shalt  }
0x5f: {  	_ =	shalt  }
0x60: {  	_ =	shalt  }
0x61: {  	_ =	shalt  }
0x62: {  	_ =	shalt  }
0x63: {  	_ =	shalt  }
0x64: {  	_ =	shalt  }
0x65: {  	_ =	shalt  }
0x66: {  	_ =	shalt  }
0x67: {  	_ =	shalt  }
0x68: {  	_ =	shalt  }
0x69: {  	_ =	shalt  }
0x6a: {  	_ =	shalt  }
0x6b: {  	_ =	shalt  }
0x6c: {  	_ =	shalt  }
0x6d: {  	_ =	shalt  }
0x6e: {  	_ =	shalt  }
0x6f: {  	_ =	shalt  }
0x70: {  	_ =	shalt  }
0x71: {  	_ =	shalt  }
0x72: {  	_ =	shalt  }
0x73: {  	_ =	shalt  }
0x74: {  	_ =	shalt  }
0x75: {  	_ =	shalt  }
0x76: {  	_ =	shalt  }
0x77: {  	_ =	shalt  }
0x78: {  	_ =	shalt  }
0x79: {  	_ =	shalt  }
0x7a: {  	_ =	shalt  }
0x7b: {  	_ =	shalt  }
0x7c: {  	_ =	shalt  }
0x7d: {  	_ =	shalt  }
0x7e: {  	_ =	shalt  }
0x7f: {  	_ =	shalt  }
0x80: {  	_ =	shalt  }
0x81: {  	_ =	shalt  }
0x82: {  	_ =	shalt  }
0x83: {  	_ =	shalt  }
0x84: {  	_ =	shalt  }
0x85: {  	_ =	shalt  }
0x86: {  	_ =	shalt  }
0x87: {  	_ =	shalt  }
.Lfunc_end0:
.L_simem_size_0:
called_computation_lowered:
.L_overlay_start_0:
0x88: {  	s2 =	sld [smem:$0x3FD9]  }
0x89: {  	s3 =	sld [smem:$0x3FFE];
	_ =	sdelay $0x1  }
0x8a: {  	s1 =	srdreg.scid  }
0x8b: {  	s0 =	sand.u32 $0x1, s1  }
0x8c: {  	s16 =	sshll.u32 s0, $0xA;
	s2 =	sadd.s32 s3, s2  }
0x8d: {  	s2 =	sadd.s32 s2, s16  }
0x8e: {  	[smem:$0x3FBB] =	sst s2  }
0x8f: {  	_ = 	snop  }
0x90: {  	(tm) =	ssettm $0x1  }
0x91: {  	s17 =	sld [smem:$0x3FFB];
	_ =	sdelay $0x3  }
0x92: {  	_ =	strace s17  }
0x93: {  	s2 =	sld [smem:$0x3FFC];
	_ =	sdelay $0x3  }
0x94: {  	_ =	strace s2  }
0x95: {  	s2 =	sld [smem:$0x3FFD];
	_ =	sdelay $0x3  }
0x96: {  	_ =	strace s2  }
0x97: {  	_ =	strace $0x8FFFFFFF  }
0x98: {  	s18 =	sld [smem:$0x3FDB];
	_ =	sdelay $0x1  }
0x99: {  	s19 =	simm.s32 $_scs_section_size  }
0x9a: {  	s4 =	simm.s32 $_size__tile_overlayer_lowered;
	s5 =	simm.s32 $_tile_overlayer_lowered  }
0x9b: {  	s22 =	simm.s32 $0x1BFF;
	s21 =	sshll.u32 s5, $0x1;
	s2 =	sadd.s32 s19, s18  }
0x9c: {  	s6 =	simm.s32 $0x0;
	s20 =	sshll.u32 s4, $0x1;
	s4 =	sadd.s32 s21, s2  }
0x9d: {  	[timem:s6], [sflag:s22] =	dma.local [hbm:s4], s20  }
0x9e: {  	_ =	swait.ge [sflag:s22], s20  }
0x9f: {  	s3 =	ssub.s32 $0x0, s20;
	[sflag:s22] =	ssyncset.done $0x0  }
0xa0: {  	[sflag:s22] =	ssyncadd.s32 s3;
	_ =	sdelay $0x1  }
0xa1: {  	s23 =	simm.s32 $0x1B8B  }
0xa2: {  	_ =	swait.ge [sflag:s23], $0x1  }
0xa3: {  	[sflag:s23] =	ssyncset.done $0x0  }
0xa4: {  	s25 =	simm.s32 $0x1B8E;
	s24 =	sld [smem:$0x3FFE];
	[sflag:s23] =	ssyncadd.s32 $0xFFFFFFFF  }
0xa5: {  	s26 =	simm.s32 $execute0_lowered;
	[smem:$0x3FD2] =	sst s25  }
0xa6: {  	s4 =	sshll.u32 s26, $0x1;
	_ =	strace $0x80000046;
	[dreg:$0x1] =	wrdreg $0xFFFFFFFF  }
0xa7: {  	s28 =	simm.s32 $_size_execute0_lowered;
	s2 =	sadd.s32 s2, s4;
	[dreg:$0x0] =	wrdreg $0x0  }
0xa8: {  	s4 =	sshll.u32 s28, $0x1;
	[dreg:$0x2] =	wrdreg s2  }
0xa9: {  	[dreg:$0x3] =	wrdreg s4  }
0xaa: {  	[dreg:$0x4] =	wrdreg $0xC0  }
0xab: {  	_ =	task [dreg:s6], $0x5FFFF  }
0xac: {  	[dreg:$0x1] =	wrdreg $0xFFFFFFFF  }
0xad: {  	[dreg:$0x0] =	wrdreg $0x60  }
0xae: {  	[dreg:$0x2] =	wrdreg s24  }
0xaf: {  	[dreg:$0x3] =	wrdreg $0x4000  }
0xb0: {  	[dreg:$0x4] =	wrdreg $0x9  }
0xb1: {  	_ =	task.clear_ibuf [dreg:s6], $0x5FFFF;
	_ =	strace $0x90000046  }
0xb2: {  	s29 =	simm.s32 $0x9;
	_ =	strace $0x80000048  }
0xb3: {  	_ =	swait.ge [sflag:s29], $0x1  }
0xb4: {  	[sflag:s29] =	ssyncadd.s32 $0xFFFFFFFF  }
0xb5: {  	_ =	strace $0x90000048  }
0xb6: {  	_ =	sfence  }
0xb7: {  	s30 =	sld [smem:$0x0];
	_ =	sdelay $0x2  }
0xb8: {  	s31 =	sshll.u32 s1, $0xD;
	s1 =	sshrl.u32 s1, $0x2  }
0xb9: {  	s3 =	sand.u32 $0x4000, s31;
	s1 =	sadd.s32 s1, s30  }
0xba: {  	s0 =	sor.u32 s3, s0;
	s1 =	sshll.u32 s1, $0x11  }
0xbb: {  	s0 =	sor.u32 s1, s0  }
0xbc: {  	s0 =	sadd.s32 $0x8F2B, s0  }
0xbd: {  	[sflag:s0] =	ssyncadd.remote.s32 $0x1  }
0xbe: {  	_ =	sfence.sel $0xFFFF  }
0xbf: {  	[dreg:$0x0] =	wrdreg $0xFFFFFFFF;
	(pc) =	sbr.abs _section_cstart, $3  }
0xc0: {  	[dreg:$0x1] =	wrdreg $0xFFFFFFFF  }
0xc1: {  	_ =	task.clear_ibuf [dreg:s6], $0x2FFFF;
	_ =	strace $0x9FFFFFFF  }
0xc2: {  	(tm) =	ssettm $0x7FFFFFFF  }
0xc3: {  	_ =	shalt  }
tec
execute0_lowered:
.L_overlay_start_1:
0x0: {  	(tag) =	ssettag $0x1  }
0x1: {  	s4 =	rddreg [dreg:$0x0]  }
0x2: {  	s2 =	rddreg [dreg:$0x1];
	s3 =	srdreg.scid  }
0x3: {  	s0 =	rddreg [dreg:$0x2];
	s1 =	stileid.u32  }
0x4: {  	s13 =	simm.s32 $0x8;
	s16 =	simm.s32 $0x0;
	s6 =	smul.u32 $0x280, s1  }
0x5: {  	s5 =	sand.u32 $0x1, s3;
	s3 =	simm.s32 $0x0;
	s11 =	smul.u32 $0x1388, s1  }
0x6: {  	s9 =	sadd.s32 $0x1A00, s4;
	s14 =	sshll.u32 s1, $0x6;
	s8 =	smul.u32 $0x2800, s5  }
0x7: {  	s7 =	sshll.u32 s5, $0x4;
	[smem:$0x7FF] =	sst s3;
	s10 =	smul.u32 $0x13880, s5  }
0x8: {  	s5 =	ssub.s32 $0x2, s5;
	s14 =	sor.u32 $0x1C01, s14;
	s7 =	sor.u32 s1, s7  }
0x9: {  	_ =	strace $0x80000047;
	s29 =	sshrl.u32 s5, $0x1;
	s7 =	smul.u32 $0x1388, s7  }
0xa: {  	s8 =	sadd.s32 s6, s8;
	s12 =	ssub.s32 s5, s29;
	s31 =	sadd.s32 s11, s10  }
0xb: {  	s11 =	simm.s32 $0x80;
	s8 =	sshrl.u32 s8, $0x3;
	s10 =	sshrl.u32 s31, $0x3  }
0xc: {  	s8 =	sadd.s32 s8, s4;
	s7 =	sshrl.u32 s7, $0x3;
	s4 =	sadd.s32 s6, s2  }
0xd: {  	s30 =	sadd.s32 s9, s7;
	s6 =	sadd.s32 $0xBA00, s8;
	s7 =	smax.u32 s12, $0x1  }
0xe: {  	s8 =	sadd.s32 s10, s9;
	s9 =	simm.s32 $0x180;
	s10 =	simm.s32 $0x1  }
0xf: {  	v0 =	vimm.f32 $1.000000000e+00;
	v1 =	vimm.f32 $0.0e+00;
	s12 =	simm.s32 $0x100;
	s15 =	sshrl.u32 s4, $0x3;
	s5 =	sadd.s32 $0x270, s30  }
.LBB2_1:
0x10: {  	[tilespmem:$0x100] =	vst v0  }
0x11: {  	[tilespmem:$0x110] =	vst v0  }
0x12: {  	[tilespmem:$0x120] =	vst v0  }
0x13: {  	[tilespmem:$0x130] =	vst v0  }
0x14: {  	[tilespmem:$0x140] =	vst v0  }
0x15: {  	[tilespmem:$0x150] =	vst v0  }
0x16: {  	[tilespmem:$0x160] =	vst v0  }
0x17: {  	[tilespmem:$0x170] =	vst v0  }
0x18: {  	[tilespmem:$0x180] =	vst v1  }
0x19: {  	[tilespmem:$0x190] =	vst v1  }
0x1a: {  	[tilespmem:$0x1A0] =	vst v1  }
0x1b: {  	[tilespmem:$0x1B0] =	vst v1  }
0x1c: {  	[tilespmem:$0x1C0] =	vst v1  }
0x1d: {  	[tilespmem:$0x1D0] =	vst v1  }
0x1e: {  	[tilespmem:$0x1E0] =	vst v1  }
0x1f: {  	[tilespmem:$0x1F0] =	vst v1  }
0x20: {  	[tilespmem:$0x200] =	vst v1  }
0x21: {  	[tilespmem:$0x210] =	vst v1  }
0x22: {  	[tilespmem:$0x220] =	vst v1  }
0x23: {  	[tilespmem:$0x230] =	vst v1  }
0x24: {  	[tilespmem:$0x240] =	vst v1  }
0x25: {  	[tilespmem:$0x250] =	vst v1  }
0x26: {  	[tilespmem:$0x260] =	vst v1  }
0x27: {  	[tilespmem:$0x270] =	vst v1  }
0x28: {  	[tilespmem:$0x280] =	vst v1  }
0x29: {  	[tilespmem:$0x290] =	vst v1  }
0x2a: {  	[tilespmem:$0x2A0] =	vst v1  }
0x2b: {  	[tilespmem:$0x2B0] =	vst v1  }
0x2c: {  	[tilespmem:$0x2C0] =	vst v1  }
0x2d: {  	[tilespmem:$0x2D0] =	vst v1  }
0x2e: {  	[tilespmem:$0x2E0] =	vst v1  }
0x2f: {  	[tilespmem:$0x2F0] =	vst v1  }
0x30: {  	[tilespmem:$0x300] =	vst v1  }
0x31: {  	[tilespmem:$0x310] =	vst v1  }
0x32: {  	[tilespmem:$0x320] =	vst v1  }
0x33: {  	[tilespmem:$0x330] =	vst v1  }
0x34: {  	[tilespmem:$0x340] =	vst v1  }
0x35: {  	[tilespmem:$0x350] =	vst v1  }
0x36: {  	[tilespmem:$0x360] =	vst v1  }
0x37: {  	[tilespmem:$0x370] =	vst v1  }
0x38: {  	[tilespmem:$0x380] =	vst v1  }
0x39: {  	[tilespmem:$0x390] =	vst v1  }
0x3a: {  	[tilespmem:$0x3A0] =	vst v1  }
0x3b: {  	[tilespmem:$0x3B0] =	vst v1  }
0x3c: {  	[tilespmem:$0x3C0] =	vst v1  }
0x3d: {  	[tilespmem:$0x3D0] =	vst v1  }
0x3e: {  	[tilespmem:$0x3E0] =	vst v1  }
0x3f: {  	[tilespmem:$0x3F0] =	vst v1  }
0x40: {  	[spmem:s4] =	stream.linear.scatter [tilespmem:s9], [sflag:$0x1], $0x280, $0x38;
	[tilespmem:$0x680] =	vst v63  }
0x41: {  	_ =	swait.ge [sflag:s10], $0x280  }
0x42: {  	[sflag:s10] =	ssyncset.done $0x0  }
0x43: {  	[sflag:s10] =	ssyncadd.s32 $0xFFFFFD80  }
0x44: {  	s17 =	sadd.s32 $0x0, s8;
	[bflag:$0x0] =	sbarrier.arrive $0xFFFF  }
0x45: {  	[tilespmem:s3], [sflag:$0x1] =	stream.linear.gather [hbm4b:s17+s3], $0x80, $0x38;
	[tilespmem:$0x680] =	vst v63  }
0x46: {  	_ =	swait.ge [sflag:s10], $0x80  }
0x47: {  	[sflag:s10] =	ssyncset.done $0x0  }
0x48: {  	[sflag:s10] =	ssyncadd.s32 $0xFFFFFF80  }
0x49: {  	[spmem:s2] =	stream.indirect.scatter.add.f32 [tilespmem:s12], [sflag:$0x1], $0x1, s3, s11, $0xb8;
	[tilespmem:$0x680] =	vst v63  }
0x4a: {  	_ =	swait.ge [sflag:s10], $0x80  }
0x4b: {  	s18 =	simm.s32 $0x20;
	s17 =	simm.s32 $0x10;
	[sflag:s10] =	ssyncset.done $0x0  }
.LBB2_2:
0x4c: {  	s19 =	sadd.s32 s17, s8  }
0x4d: {  	[sflag:s10] =	ssyncadd.s32 $0xFFFFFF80;
	s17 =	smov.u32 s18;
	s20 =	sadd.s32 $0x10, s18  }
0x4e: {  	[tilespmem:s3], [sflag:$0x1] =	stream.linear.gather [hbm4b:s19+s3], $0x80, $0x38;
	[tilespmem:$0x680] =	vst v63  }
0x4f: {  	p0 =	sne.s32 s18, $0x260;
	_ =	swait.ge [sflag:s10], $0x80  }
.Ltmp0:
0x50: {  	[sflag:s10] =	ssyncset.done $0x0;
	(pc) =	sbr.rel @p0 .LBB2_2-.Ltmp0, $4  }
0x51: {  	[sflag:s10] =	ssyncadd.s32 $0xFFFFFF80  }
0x52: {  	[spmem:s2] =	stream.indirect.scatter.add.f32 [tilespmem:s12], [sflag:$0x1], $0x1, s3, s11, $0xb8;
	[tilespmem:$0x680] =	vst v63  }
0x53: {  	_ =	swait.ge [sflag:s10], $0x80  }
0x54: {  	s18 =	smov.u32 s20;
	[sflag:s10] =	ssyncset.done $0x0  }
0x55: {  	s17 =	sadd.s32 s17, s8;
	[sflag:s10] =	ssyncadd.s32 $0xFFFFFF80  }
0x56: {  	[tilespmem:s3], [sflag:$0x1] =	stream.linear.gather [hbm4b:s17+s3], $0x80, $0x38;
	[tilespmem:$0x680] =	vst v63  }
0x57: {  	_ =	swait.ge [sflag:s10], $0x80  }
0x58: {  	[sflag:s10] =	ssyncset.done $0x0  }
0x59: {  	[sflag:s10] =	ssyncadd.s32 $0xFFFFFF80  }
0x5a: {  	[spmem:s2] =	stream.indirect.scatter.add.f32 [tilespmem:s12], [sflag:$0x1], $0x1, s3, s11, $0xb8;
	[tilespmem:$0x680] =	vst v63  }
0x5b: {  	_ =	swait.ge [sflag:s10], $0x80  }
0x5c: {  	[sflag:s10] =	ssyncset.done $0x0  }
0x5d: {  	[sflag:s10] =	ssyncadd.s32 $0xFFFFFF80  }
0x5e: {  	[tilespmem:s11], [sflag:$0x1] =	stream.linear.gather [hbm4b:s5+s3], $0x8, $0x38;
	[tilespmem:$0x680] =	vst v63  }
0x5f: {  	_ =	swait.ge [sflag:s10], $0x8  }
0x60: {  	[sflag:s10] =	ssyncset.done $0x0  }
0x61: {  	[sflag:s10] =	ssyncadd.s32 $0xFFFFFFF8  }
0x62: {  	[spmem:s2] =	stream.indirect.scatter.add.f32 [tilespmem:s12], [sflag:$0x1], $0x1, s11, s13, $0xb8;
	[tilespmem:$0x680] =	vst v63  }
0x63: {  	_ =	swait.ge [sflag:s10], $0x8  }
0x64: {  	s16 =	sadd.s32 $0x1, s16;
	[sflag:s10] =	ssyncset.done $0x0  }
0x65: {  	p0 =	sne.s32 s16, s7;
	[sflag:s10] =	ssyncadd.s32 $0xFFFFFFF8  }
.Ltmp1:
0x66: {  	[bflag:$0x0] =	sbarrier.arrive $0xFFFF;
	(pc) =	sbr.rel @p0 .LBB2_1-.Ltmp1, $4  }
0x67: {  	[hbm:s6], [sflag:s14] =	dma.local [spmem:s15], $0x50  }
0x68: {  	_ =	swait.ge [sflag:s10], $0x50  }
0x69: {  	[sflag:s10] =	ssyncset.done $0x0  }
0x6a: {  	[sflag:s10] =	ssyncadd.s32 $0xFFFFFFB0  }
0x6b: {  	_ =	sfence.sel $0x180000  }
0x6c: {  	[bflag:$0x0] =	sbarrier.arrive $0xFFFF  }
0x6d: {  	p0 =	sne.s32 s1, $0x0;
	_ =	strace $0x90000047  }
0x6e: {  	s0 =	sadd.s32 @!p0 $0x100000, s0;
	[bflag:$0x2] =	sbarrier.arrive $0xFFFF  }
0x6f: {  	[sflag:s0] =	ssyncadd.tile.s32 @!p0 $0x1;
	_ =	shalt  }
.Lfunc_end2:
_tile_overlayer_lowered:
.L_overlay_start_2:
0x70: {  	(tag) =	ssettag $0x2  }
0x71: {  	s0 =	rddreg [dreg:$0x0];
	s2 =	stileid.u32  }
0x72: {  	s1 =	rddreg [dreg:$0x1];
	p0 =	sne.s32 s2, $0x0  }
0x73: {  	s3 =	rddreg [dreg:$0x2];
	[bflag:$0x3] =	sbarrier.arrive $0xFFFF;
	s2 =	simm.s32 @!p0 $0x1C01  }
0x74: {  	[timem:s3], [sflag:s2] =	dma.local @!p0 [hbm:s0], s1  }
0x75: {  	s0 =	simm.s32 @!p0 $0x1  }
0x76: {  	_ =	swait.ge @!p0 [sflag:s0], s1  }
0x77: {  	s1 =	ssub.s32 @!p0 $0x0, s1;
	[sflag:s0] =	ssyncset.done @!p0 $0x0  }
0x78: {  	[sflag:s0] =	ssyncadd.s32 @!p0 s1  }
0x79: {  	[bflag:$0x3] =	sbarrier.arrive $0xFFFF  }
0x7a: {  	_ =	shalt  }

</sc_bundles>
